<compile_context>
chip_gen: v7x
topology: tpu7x:2x2x1
jax: 0.10.2.dev20260603
libtpu: 0.0.44.dev20260713+nightly
codegen_flags: <defaults>
</compile_context>

<pallas_src>
import jax
import jax.numpy as jnp
from jax import lax
from jax.experimental import pallas as pl
from jax.experimental.pallas import tpu as pltpu
from jax.experimental.pallas import tpu_sc as plsc

B = 4096
L = 200
WDIM = 64
PDIM = 16
ODIM = WDIM + 2 * PDIM
N = B * L
NC = 2
NS = 16
NW = NC * NS
CHUNK = N // NW
T = 512
STEPS = CHUNK // T


def _emb_body(word_hbm, pos1_hbm, pos2_hbm, wtab_hbm, p1tab_hbm, p2tab_hbm,
              out_hbm, widx_v, p1idx_v, p2idx_v, wrows_v, p1rows_v, p2rows_v,
              sem_i, sem_g, sem_o):
    c = lax.axis_index("c")
    s = lax.axis_index("s")
    wid = s * NC + c
    base0 = wid * CHUNK

    def idx_copies(i, p):
        base = base0 + i * T
        return [
            pltpu.make_async_copy(word_hbm.at[pl.ds(base, T)],
                                  widx_v.at[p], sem_i.at[p]),
            pltpu.make_async_copy(pos1_hbm.at[pl.ds(base, T)],
                                  p1idx_v.at[p], sem_i.at[p]),
            pltpu.make_async_copy(pos2_hbm.at[pl.ds(base, T)],
                                  p2idx_v.at[p], sem_i.at[p]),
        ]

    def gather_copies(p):
        return [
            pltpu.make_async_copy(wtab_hbm.at[widx_v.at[p]],
                                  wrows_v.at[p], sem_g.at[p]),
            pltpu.make_async_copy(p1tab_hbm.at[p1idx_v.at[p]],
                                  p1rows_v.at[p], sem_g.at[p]),
            pltpu.make_async_copy(p2tab_hbm.at[p2idx_v.at[p]],
                                  p2rows_v.at[p], sem_g.at[p]),
        ]

    def out_copies(i, p):
        base = base0 + i * T
        return [
            pltpu.make_async_copy(
                wrows_v.at[p],
                out_hbm.at[pl.ds(base, T), pl.ds(0, WDIM)], sem_o.at[p]),
            pltpu.make_async_copy(
                p1rows_v.at[p],
                out_hbm.at[pl.ds(base, T), pl.ds(WDIM, PDIM)], sem_o.at[p]),
            pltpu.make_async_copy(
                p2rows_v.at[p],
                out_hbm.at[pl.ds(base, T), pl.ds(WDIM + PDIM, PDIM)],
                sem_o.at[p]),
        ]

    def fire(copies):
        for cp in copies:
            cp.start()

    def drain(copies):
        for cp in copies:
            cp.wait()

    fire(idx_copies(0, 0))
    fire(idx_copies(1, 1))
    drain(idx_copies(0, 0))
    fire(gather_copies(0))

    def step(i, carry):
        p = i & 1
        q = 1 - p
        drain(gather_copies(q))
        fire(out_copies(i - 1, q))

        @pl.when(i + 1 < STEPS)
        def _():
            fire(idx_copies(i + 1, q))

        drain(idx_copies(i, p))

        @pl.when(i >= 2)
        def _():
            drain(out_copies(i - 2, p))

        fire(gather_copies(p))
        return carry

    lax.fori_loop(1, STEPS, step, 0)

    qe = (STEPS - 1) & 1
    drain(gather_copies(qe))
    fire(out_copies(STEPS - 1, qe))
    drain(out_copies(STEPS - 2, 1 - qe))
    drain(out_copies(STEPS - 1, qe))


@jax.jit
def _run(word_flat, pos1_flat, pos2_flat, word_table, p1_tab, p2_tab):
    mesh = plsc.VectorSubcoreMesh(core_axis_name="c", subcore_axis_name="s")
    f = pl.kernel(
        _emb_body,
        mesh=mesh,
        compiler_params=pltpu.CompilerParams(use_tc_tiling_on_sc=False),
        out_type=jax.ShapeDtypeStruct((N, ODIM), jnp.float32),
        scratch_types=[
            pltpu.VMEM((2, T), jnp.int32),
            pltpu.VMEM((2, T), jnp.int32),
            pltpu.VMEM((2, T), jnp.int32),
            pltpu.VMEM((2, T, WDIM), jnp.float32),
            pltpu.VMEM((2, T, PDIM), jnp.float32),
            pltpu.VMEM((2, T, PDIM), jnp.float32),
            pltpu.SemaphoreType.DMA((2,)),
            pltpu.SemaphoreType.DMA((2,)),
            pltpu.SemaphoreType.DMA((2,)),
        ],
    )
    return f(word_flat, pos1_flat, pos2_flat, word_table, p1_tab, p2_tab)


def kernel(word, pos1, pos2, word_table, pos1_table, pos2_table):
    word_flat = word.reshape(N).astype(jnp.int32)
    pos1_flat = pos1.reshape(N).astype(jnp.int32)
    pos2_flat = pos2.reshape(N).astype(jnp.int32)
    p1_tab = pos1_table.at[0].set(0.0)
    p2_tab = pos2_table.at[0].set(0.0)
    out = _run(word_flat, pos1_flat, pos2_flat, word_table, p1_tab, p2_tab)
    return out.reshape(B, L, ODIM)

# --- scband reference (transcript-rebuilt; emitter-appended) ---
"""Pipeline reference for scband-embedding-26920855011618 (READ-ONLY COPY).

The authoritative reference and input builder live on the scoring server;
editing this copy changes nothing except your own understanding.
"""

import jax, jax.numpy as jnp
import numpy as np

VOCAB = 100000
WDIM = 64
MAXLEN = 200
PDIM = 16
B = 4096
L = 200


def setup_inputs(seed: int = 0) -> dict:
    key = jax.random.key(seed)
    k1, k2, k3, k4, k5, k6 = jax.random.split(key, 6)
    word = jax.random.randint(k1, (B, L), 0, VOCAB)
    pos1 = jax.random.randint(k2, (B, L), 0, MAXLEN)
    pos2 = jax.random.randint(k3, (B, L), 0, MAXLEN)
    # word embedding table: pretrained word_vec_mat [VOCAB, WDIM] with an extra
    # zero pad row appended (row index VOCAB), matching torch.cat((word_vec_mat, pad), 0)
    word_table = jax.random.normal(k4, (VOCAB + 1, WDIM), dtype=jnp.float32) * 0.02
    word_table = word_table.at[VOCAB].set(0.0)
    pos1_table = jax.random.normal(k5, (MAXLEN, PDIM), dtype=jnp.float32) * 0.02
    pos2_table = jax.random.normal(k6, (MAXLEN, PDIM), dtype=jnp.float32) * 0.02
    return {
        'word': word,
        'pos1': pos1,
        'pos2': pos2,
        'word_table': word_table,
        'pos1_table': pos1_table,
        'pos2_table': pos2_table,
    }


def reference(word, pos1, pos2, word_table, pos1_table, pos2_table):
    # nn.Embedding(padding_idx=0) -> row 0 of each pos table is forced to zero
    pad_mask = jnp.ones((MAXLEN, 1), dtype=jnp.float32).at[0].set(0.0)
    p1_tab = pos1_table * pad_mask
    p2_tab = pos2_table * pad_mask
    w = jnp.take(word_table, word, axis=0)     # [B, L, WDIM]
    p1 = jnp.take(p1_tab, pos1, axis=0)        # [B, L, PDIM]
    p2 = jnp.take(p2_tab, pos2, axis=0)        # [B, L, PDIM]
    x = jnp.concatenate((w, p1, p2), axis=2)   # concate_dim=2 -> [B, L, WDIM+2*PDIM]
    return x

if __name__ == "__main__":
    import jax
    _d = setup_inputs()
    print(jax.jit(kernel)(*tuple(_d.values())))

</pallas_src>

<mosaic_0001>
#map = affine_map<(d0, d1) -> (0)>
#map1 = affine_map<(d0, d1) -> (0, 0)>
module attributes {stable_mosaic.version = 14 : i64} {
  func.func @_emb_body(%arg0: i32, %arg1: i32, %arg2: memref<819200xi32, #tpu.memory_space<hbm>>, %arg3: memref<819200xi32, #tpu.memory_space<hbm>>, %arg4: memref<819200xi32, #tpu.memory_space<hbm>>, %arg5: memref<100001x64xf32, #tpu.memory_space<hbm>>, %arg6: memref<200x16xf32, #tpu.memory_space<hbm>>, %arg7: memref<200x16xf32, #tpu.memory_space<hbm>>, %arg8: memref<819200x96xf32, #tpu.memory_space<hbm>>, %arg9: memref<2x512xi32, #tpu.memory_space<vmem>>, %arg10: memref<2x512xi32, #tpu.memory_space<vmem>>, %arg11: memref<2x512xi32, #tpu.memory_space<vmem>>, %arg12: memref<2x512x64xf32, #tpu.memory_space<vmem>>, %arg13: memref<2x512x16xf32, #tpu.memory_space<vmem>>, %arg14: memref<2x512x16xf32, #tpu.memory_space<vmem>>, %arg15: memref<2x!tpu.dma_semaphore, #tpu.memory_space<semaphore_mem>>, %arg16: memref<2x!tpu.dma_semaphore, #tpu.memory_space<semaphore_mem>>, %arg17: memref<2x!tpu.dma_semaphore, #tpu.memory_space<semaphore_mem>>) attributes {dimension_semantics = [#tpu.dimension_semantics<core_parallel>, #tpu.dimension_semantics<subcore_parallel>], iteration_bounds = array<i64: 2, 16>, scalar_prefetch = 0 : i64, scratch_operands = 9 : i64, tpu.core_type = #tpu.core_type<sc_vector_subcore>, window_params = [{transform_indices = #map}, {transform_indices = #map}, {transform_indices = #map}, {transform_indices = #map1}, {transform_indices = #map1}, {transform_indices = #map1}, {transform_indices = #map1}]} {
    %mul3A = arith.constant 2 : i32
    %mul3A_0 = arith.muli %arg1, %mul3A : i32
    %add3A = arith.addi %mul3A_0, %arg0 : i32
    %mul3A_1 = arith.constant 25600 : i32
    %mul3A_2 = arith.muli %add3A, %mul3A_1 : i32
    %add3A_3 = arith.constant 0 : i32
    %add3A_4 = arith.addi %mul3A_2, %add3A_3 : i32
    %dma_start3A = arith.constant 0 : i32
    %dma_start3A_5 = arith.constant 0 : i32
    %dma_start3A_6 = arith.constant 0 : i32
    %dma_start3A_7 = tpu.memref_slice %arg9[%dma_start3A, %dma_start3A_6] : memref<2x512xi32, #tpu.memory_space<vmem>> -> memref<1x512xi32, #tpu.memory_space<vmem>>
    %dma_start3A_8 = tpu.memref_squeeze %dma_start3A_7 : memref<1x512xi32, #tpu.memory_space<vmem>> -> memref<512xi32, #tpu.memory_space<vmem>>
    %dma_start3A_9 = tpu.memref_slice %arg2[%add3A_4] : memref<819200xi32, #tpu.memory_space<hbm>> -> memref<512xi32, #tpu.memory_space<hbm>>
    %dma_start3A_10 = tpu.memref_slice %arg15[%dma_start3A_5] : memref<2x!tpu.dma_semaphore, #tpu.memory_space<semaphore_mem>> -> memref<1x!tpu.dma_semaphore, #tpu.memory_space<semaphore_mem>>
    %dma_start3A_11 = tpu.memref_squeeze %dma_start3A_10 : memref<1x!tpu.dma_semaphore, #tpu.memory_space<semaphore_mem>> -> memref<!tpu.dma_semaphore, #tpu.memory_space<semaphore_mem>>
    %dma_start3A_12 = arith.constant 0 : i32
    %dma_start3A_13 = tpu.memref_slice %arg9[%dma_start3A, %dma_start3A_12] : memref<2x512xi32, #tpu.memory_space<vmem>> -> memref<1x512xi32, #tpu.memory_space<vmem>>
    %dma_start3A_14 = tpu.memref_squeeze %dma_start3A_13 : memref<1x512xi32, #tpu.memory_space<vmem>> -> memref<512xi32, #tpu.memory_space<vmem>>
    %dma_start3A_15 = tpu.memref_slice %arg2[%add3A_4] : memref<819200xi32, #tpu.memory_space<hbm>> -> memref<512xi32, #tpu.memory_space<hbm>>
    tpu.enqueue_dma source(%dma_start3A_15 : memref<512xi32, #tpu.memory_space<hbm>>) target(%dma_start3A_14 : memref<512xi32, #tpu.memory_space<vmem>>) target_semaphore(%dma_start3A_11 : memref<!tpu.dma_semaphore, #tpu.memory_space<semaphore_mem>>)
    %dma_start3A_16 = arith.constant 0 : i32
    %dma_start3A_17 = arith.constant 0 : i32
    %dma_start3A_18 = arith.constant 0 : i32
    %dma_start3A_19 = tpu.memref_slice %arg10[%dma_start3A_16, %dma_start3A_18] : memref<2x512xi32, #tpu.memory_space<vmem>> -> memref<1x512xi32, #tpu.memory_space<vmem>>
    %dma_start3A_20 = tpu.memref_squeeze %dma_start3A_19 : memref<1x512xi32, #tpu.memory_space<vmem>> -> memref<512xi32, #tpu.memory_space<vmem>>
    %dma_start3A_21 = tpu.memref_slice %arg3[%add3A_4] : memref<819200xi32, #tpu.memory_space<hbm>> -> memref<512xi32, #tpu.memory_space<hbm>>
    %dma_start3A_22 = tpu.memref_slice %arg15[%dma_start3A_17] : memref<2x!tpu.dma_semaphore, #tpu.memory_space<semaphore_mem>> -> memref<1x!tpu.dma_semaphore, #tpu.memory_space<semaphore_mem>>
    %dma_start3A_23 = tpu.memref_squeeze %dma_start3A_22 : memref<1x!tpu.dma_semaphore, #tpu.memory_space<semaphore_mem>> -> memref<!tpu.dma_semaphore, #tpu.memory_space<semaphore_mem>>
    %dma_start3A_24 = arith.constant 0 : i32
    %dma_start3A_25 = tpu.memref_slice %arg10[%dma_start3A_16, %dma_start3A_24] : memref<2x512xi32, #tpu.memory_space<vmem>> -> memref<1x512xi32, #tpu.memory_space<vmem>>
    %dma_start3A_26 = tpu.memref_squeeze %dma_start3A_25 : memref<1x512xi32, #tpu.memory_space<vmem>> -> memref<512xi32, #tpu.memory_space<vmem>>
    %dma_start3A_27 = tpu.memref_slice %arg3[%add3A_4] : memref<819200xi32, #tpu.memory_space<hbm>> -> memref<512xi32, #tpu.memory_space<hbm>>
    tpu.enqueue_dma source(%dma_start3A_27 : memref<512xi32, #tpu.memory_space<hbm>>) target(%dma_start3A_26 : memref<512xi32, #tpu.memory_space<vmem>>) target_semaphore(%dma_start3A_23 : memref<!tpu.dma_semaphore, #tpu.memory_space<semaphore_mem>>)
    %dma_start3A_28 = arith.constant 0 : i32
    %dma_start3A_29 = arith.constant 0 : i32
    %dma_start3A_30 = arith.constant 0 : i32
    %dma_start3A_31 = tpu.memref_slice %arg11[%dma_start3A_28, %dma_start3A_30] : memref<2x512xi32, #tpu.memory_space<vmem>> -> memref<1x512xi32, #tpu.memory_space<vmem>>
    %dma_start3A_32 = tpu.memref_squeeze %dma_start3A_31 : memref<1x512xi32, #tpu.memory_space<vmem>> -> memref<512xi32, #tpu.memory_space<vmem>>
    %dma_start3A_33 = tpu.memref_slice %arg4[%add3A_4] : memref<819200xi32, #tpu.memory_space<hbm>> -> memref<512xi32, #tpu.memory_space<hbm>>
    %dma_start3A_34 = tpu.memref_slice %arg15[%dma_start3A_29] : memref<2x!tpu.dma_semaphore, #tpu.memory_space<semaphore_mem>> -> memref<1x!tpu.dma_semaphore, #tpu.memory_space<semaphore_mem>>
    %dma_start3A_35 = tpu.memref_squeeze %dma_start3A_34 : memref<1x!tpu.dma_semaphore, #tpu.memory_space<semaphore_mem>> -> memref<!tpu.dma_semaphore, #tpu.memory_space<semaphore_mem>>
    %dma_start3A_36 = arith.constant 0 : i32
    %dma_start3A_37 = tpu.memref_slice %arg11[%dma_start3A_28, %dma_start3A_36] : memref<2x512xi32, #tpu.memory_space<vmem>> -> memref<1x512xi32, #tpu.memory_space<vmem>>
    %dma_start3A_38 = tpu.memref_squeeze %dma_start3A_37 : memref<1x512xi32, #tpu.memory_space<vmem>> -> memref<512xi32, #tpu.memory_space<vmem>>
    %dma_start3A_39 = tpu.memref_slice %arg4[%add3A_4] : memref<819200xi32, #tpu.memory_space<hbm>> -> memref<512xi32, #tpu.memory_space<hbm>>
    tpu.enqueue_dma source(%dma_start3A_39 : memref<512xi32, #tpu.memory_space<hbm>>) target(%dma_start3A_38 : memref<512xi32, #tpu.memory_space<vmem>>) target_semaphore(%dma_start3A_35 : memref<!tpu.dma_semaphore, #tpu.memory_space<semaphore_mem>>)
    %add3A_40 = arith.constant 512 : i32
    %add3A_41 = arith.addi %mul3A_2, %add3A_40 : i32
    %dma_start3A_42 = arith.constant 1 : i32
    %dma_start3A_43 = arith.constant 1 : i32
    %dma_start3A_44 = arith.constant 0 : i32
    %dma_start3A_45 = tpu.memref_slice %arg9[%dma_start3A_42, %dma_start3A_44] : memref<2x512xi32, #tpu.memory_space<vmem>> -> memref<1x512xi32, #tpu.memory_space<vmem>>
    %dma_start3A_46 = tpu.memref_squeeze %dma_start3A_45 : memref<1x512xi32, #tpu.memory_space<vmem>> -> memref<512xi32, #tpu.memory_space<vmem>>
    %dma_start3A_47 = tpu.memref_slice %arg2[%add3A_41] : memref<819200xi32, #tpu.memory_space<hbm>> -> memref<512xi32, #tpu.memory_space<hbm>>
    %dma_start3A_48 = tpu.memref_slice %arg15[%dma_start3A_43] : memref<2x!tpu.dma_semaphore, #tpu.memory_space<semaphore_mem>> -> memref<1x!tpu.dma_semaphore, #tpu.memory_space<semaphore_mem>>
    %dma_start3A_49 = tpu.memref_squeeze %dma_start3A_48 : memref<1x!tpu.dma_semaphore, #tpu.memory_space<semaphore_mem>> -> memref<!tpu.dma_semaphore, #tpu.memory_space<semaphore_mem>>
    %dma_start3A_50 = arith.constant 0 : i32
    %dma_start3A_51 = tpu.memref_slice %arg9[%dma_start3A_42, %dma_start3A_50] : memref<2x512xi32, #tpu.memory_space<vmem>> -> memref<1x512xi32, #tpu.memory_space<vmem>>
    %dma_start3A_52 = tpu.memref_squeeze %dma_start3A_51 : memref<1x512xi32, #tpu.memory_space<vmem>> -> memref<512xi32, #tpu.memory_space<vmem>>
    %dma_start3A_53 = tpu.memref_slice %arg2[%add3A_41] : memref<819200xi32, #tpu.memory_space<hbm>> -> memref<512xi32, #tpu.memory_space<hbm>>
    tpu.enqueue_dma source(%dma_start3A_53 : memref<512xi32, #tpu.memory_space<hbm>>) target(%dma_start3A_52 : memref<512xi32, #tpu.memory_space<vmem>>) target_semaphore(%dma_start3A_49 : memref<!tpu.dma_semaphore, #tpu.memory_space<semaphore_mem>>)
    %dma_start3A_54 = arith.constant 1 : i32
    %dma_start3A_55 = arith.constant 1 : i32
    %dma_start3A_56 = arith.constant 0 : i32
    %dma_start3A_57 = tpu.memref_slice %arg10[%dma_start3A_54, %dma_start3A_56] : memref<2x512xi32, #tpu.memory_space<vmem>> -> memref<1x512xi32, #tpu.memory_space<vmem>>
    %dma_start3A_58 = tpu.memref_squeeze %dma_start3A_57 : memref<1x512xi32, #tpu.memory_space<vmem>> -> memref<512xi32, #tpu.memory_space<vmem>>
    %dma_start3A_59 = tpu.memref_slice %arg3[%add3A_41] : memref<819200xi32, #tpu.memory_space<hbm>> -> memref<512xi32, #tpu.memory_space<hbm>>
    %dma_start3A_60 = tpu.memref_slice %arg15[%dma_start3A_55] : memref<2x!tpu.dma_semaphore, #tpu.memory_space<semaphore_mem>> -> memref<1x!tpu.dma_semaphore, #tpu.memory_space<semaphore_mem>>
    %dma_start3A_61 = tpu.memref_squeeze %dma_start3A_60 : memref<1x!tpu.dma_semaphore, #tpu.memory_space<semaphore_mem>> -> memref<!tpu.dma_semaphore, #tpu.memory_space<semaphore_mem>>
    %dma_start3A_62 = arith.constant 0 : i32
    %dma_start3A_63 = tpu.memref_slice %arg10[%dma_start3A_54, %dma_start3A_62] : memref<2x512xi32, #tpu.memory_space<vmem>> -> memref<1x512xi32, #tpu.memory_space<vmem>>
    %dma_start3A_64 = tpu.memref_squeeze %dma_start3A_63 : memref<1x512xi32, #tpu.memory_space<vmem>> -> memref<512xi32, #tpu.memory_space<vmem>>
    %dma_start3A_65 = tpu.memref_slice %arg3[%add3A_41] : memref<819200xi32, #tpu.memory_space<hbm>> -> memref<512xi32, #tpu.memory_space<hbm>>
    tpu.enqueue_dma source(%dma_start3A_65 : memref<512xi32, #tpu.memory_space<hbm>>) target(%dma_start3A_64 : memref<512xi32, #tpu.memory_space<vmem>>) target_semaphore(%dma_start3A_61 : memref<!tpu.dma_semaphore, #tpu.memory_space<semaphore_mem>>)
    %dma_start3A_66 = arith.constant 1 : i32
    %dma_start3A_67 = arith.constant 1 : i32
    %dma_start3A_68 = arith.constant 0 : i32
    %dma_start3A_69 = tpu.memref_slice %arg11[%dma_start3A_66, %dma_start3A_68] : memref<2x512xi32, #tpu.memory_space<vmem>> -> memref<1x512xi32, #tpu.memory_space<vmem>>
    %dma_start3A_70 = tpu.memref_squeeze %dma_start3A_69 : memref<1x512xi32, #tpu.memory_space<vmem>> -> memref<512xi32, #tpu.memory_space<vmem>>
    %dma_start3A_71 = tpu.memref_slice %arg4[%add3A_41] : memref<819200xi32, #tpu.memory_space<hbm>> -> memref<512xi32, #tpu.memory_space<hbm>>
    %dma_start3A_72 = tpu.memref_slice %arg15[%dma_start3A_67] : memref<2x!tpu.dma_semaphore, #tpu.memory_space<semaphore_mem>> -> memref<1x!tpu.dma_semaphore, #tpu.memory_space<semaphore_mem>>
    %dma_start3A_73 = tpu.memref_squeeze %dma_start3A_72 : memref<1x!tpu.dma_semaphore, #tpu.memory_space<semaphore_mem>> -> memref<!tpu.dma_semaphore, #tpu.memory_space<semaphore_mem>>
    %dma_start3A_74 = arith.constant 0 : i32
    %dma_start3A_75 = tpu.memref_slice %arg11[%dma_start3A_66, %dma_start3A_74] : memref<2x512xi32, #tpu.memory_space<vmem>> -> memref<1x512xi32, #tpu.memory_space<vmem>>
    %dma_start3A_76 = tpu.memref_squeeze %dma_start3A_75 : memref<1x512xi32, #tpu.memory_space<vmem>> -> memref<512xi32, #tpu.memory_space<vmem>>
    %dma_start3A_77 = tpu.memref_slice %arg4[%add3A_41] : memref<819200xi32, #tpu.memory_space<hbm>> -> memref<512xi32, #tpu.memory_space<hbm>>
    tpu.enqueue_dma source(%dma_start3A_77 : memref<512xi32, #tpu.memory_space<hbm>>) target(%dma_start3A_76 : memref<512xi32, #tpu.memory_space<vmem>>) target_semaphore(%dma_start3A_73 : memref<!tpu.dma_semaphore, #tpu.memory_space<semaphore_mem>>)
    %add3A_78 = arith.constant 0 : i32
    %add3A_79 = arith.addi %mul3A_2, %add3A_78 : i32
    %dma_wait3A = arith.constant 0 : i32
    %dma_wait3A_80 = arith.constant 0 : i32
    %dma_wait3A_81 = arith.constant 0 : i32
    %dma_wait3A_82 = tpu.memref_slice %arg9[%dma_wait3A, %dma_wait3A_81] : memref<2x512xi32, #tpu.memory_space<vmem>> -> memref<1x512xi32, #tpu.memory_space<vmem>>
    %dma_wait3A_83 = tpu.memref_squeeze %dma_wait3A_82 : memref<1x512xi32, #tpu.memory_space<vmem>> -> memref<512xi32, #tpu.memory_space<vmem>>
    %dma_wait3A_84 = tpu.memref_slice %arg2[%add3A_79] : memref<819200xi32, #tpu.memory_space<hbm>> -> memref<512xi32, #tpu.memory_space<hbm>>
    %dma_wait3A_85 = tpu.memref_slice %arg15[%dma_wait3A_80] : memref<2x!tpu.dma_semaphore, #tpu.memory_space<semaphore_mem>> -> memref<1x!tpu.dma_semaphore, #tpu.memory_space<semaphore_mem>>
    %dma_wait3A_86 = tpu.memref_squeeze %dma_wait3A_85 : memref<1x!tpu.dma_semaphore, #tpu.memory_space<semaphore_mem>> -> memref<!tpu.dma_semaphore, #tpu.memory_space<semaphore_mem>>
    %dma_wait3A_87 = arith.constant 0 : i32
    %dma_wait3A_88 = tpu.memref_slice %arg9[%dma_wait3A, %dma_wait3A_87] : memref<2x512xi32, #tpu.memory_space<vmem>> -> memref<1x512xi32, #tpu.memory_space<vmem>>
    %dma_wait3A_89 = tpu.memref_squeeze %dma_wait3A_88 : memref<1x512xi32, #tpu.memory_space<vmem>> -> memref<512xi32, #tpu.memory_space<vmem>>
    %dma_wait3A_90 = tpu.memref_slice %arg2[%add3A_79] : memref<819200xi32, #tpu.memory_space<hbm>> -> memref<512xi32, #tpu.memory_space<hbm>>
    tpu.wait_dma2 semaphore(%dma_wait3A_86 : memref<!tpu.dma_semaphore, #tpu.memory_space<semaphore_mem>>) src(%dma_wait3A_90 : memref<512xi32, #tpu.memory_space<hbm>>) dst(%dma_wait3A_89 : memref<512xi32, #tpu.memory_space<vmem>>)
    %dma_wait3A_91 = arith.constant 0 : i32
    %dma_wait3A_92 = arith.constant 0 : i32
    %dma_wait3A_93 = arith.constant 0 : i32
    %dma_wait3A_94 = tpu.memref_slice %arg10[%dma_wait3A_91, %dma_wait3A_93] : memref<2x512xi32, #tpu.memory_space<vmem>> -> memref<1x512xi32, #tpu.memory_space<vmem>>
    %dma_wait3A_95 = tpu.memref_squeeze %dma_wait3A_94 : memref<1x512xi32, #tpu.memory_space<vmem>> -> memref<512xi32, #tpu.memory_space<vmem>>
    %dma_wait3A_96 = tpu.memref_slice %arg3[%add3A_79] : memref<819200xi32, #tpu.memory_space<hbm>> -> memref<512xi32, #tpu.memory_space<hbm>>
    %dma_wait3A_97 = tpu.memref_slice %arg15[%dma_wait3A_92] : memref<2x!tpu.dma_semaphore, #tpu.memory_space<semaphore_mem>> -> memref<1x!tpu.dma_semaphore, #tpu.memory_space<semaphore_mem>>
    %dma_wait3A_98 = tpu.memref_squeeze %dma_wait3A_97 : memref<1x!tpu.dma_semaphore, #tpu.memory_space<semaphore_mem>> -> memref<!tpu.dma_semaphore, #tpu.memory_space<semaphore_mem>>
    %dma_wait3A_99 = arith.constant 0 : i32
    %dma_wait3A_100 = tpu.memref_slice %arg10[%dma_wait3A_91, %dma_wait3A_99] : memref<2x512xi32, #tpu.memory_space<vmem>> -> memref<1x512xi32, #tpu.memory_space<vmem>>
    %dma_wait3A_101 = tpu.memref_squeeze %dma_wait3A_100 : memref<1x512xi32, #tpu.memory_space<vmem>> -> memref<512xi32, #tpu.memory_space<vmem>>
    %dma_wait3A_102 = tpu.memref_slice %arg3[%add3A_79] : memref<819200xi32, #tpu.memory_space<hbm>> -> memref<512xi32, #tpu.memory_space<hbm>>
    tpu.wait_dma2 semaphore(%dma_wait3A_98 : memref<!tpu.dma_semaphore, #tpu.memory_space<semaphore_mem>>) src(%dma_wait3A_102 : memref<512xi32, #tpu.memory_space<hbm>>) dst(%dma_wait3A_101 : memref<512xi32, #tpu.memory_space<vmem>>)
    %dma_wait3A_103 = arith.constant 0 : i32
    %dma_wait3A_104 = arith.constant 0 : i32
    %dma_wait3A_105 = arith.constant 0 : i32
    %dma_wait3A_106 = tpu.memref_slice %arg11[%dma_wait3A_103, %dma_wait3A_105] : memref<2x512xi32, #tpu.memory_space<vmem>> -> memref<1x512xi32, #tpu.memory_space<vmem>>
    %dma_wait3A_107 = tpu.memref_squeeze %dma_wait3A_106 : memref<1x512xi32, #tpu.memory_space<vmem>> -> memref<512xi32, #tpu.memory_space<vmem>>
    %dma_wait3A_108 = tpu.memref_slice %arg4[%add3A_79] : memref<819200xi32, #tpu.memory_space<hbm>> -> memref<512xi32, #tpu.memory_space<hbm>>
    %dma_wait3A_109 = tpu.memref_slice %arg15[%dma_wait3A_104] : memref<2x!tpu.dma_semaphore, #tpu.memory_space<semaphore_mem>> -> memref<1x!tpu.dma_semaphore, #tpu.memory_space<semaphore_mem>>
    %dma_wait3A_110 = tpu.memref_squeeze %dma_wait3A_109 : memref<1x!tpu.dma_semaphore, #tpu.memory_space<semaphore_mem>> -> memref<!tpu.dma_semaphore, #tpu.memory_space<semaphore_mem>>
    %dma_wait3A_111 = arith.constant 0 : i32
    %dma_wait3A_112 = tpu.memref_slice %arg11[%dma_wait3A_103, %dma_wait3A_111] : memref<2x512xi32, #tpu.memory_space<vmem>> -> memref<1x512xi32, #tpu.memory_space<vmem>>
    %dma_wait3A_113 = tpu.memref_squeeze %dma_wait3A_112 : memref<1x512xi32, #tpu.memory_space<vmem>> -> memref<512xi32, #tpu.memory_space<vmem>>
    %dma_wait3A_114 = tpu.memref_slice %arg4[%add3A_79] : memref<819200xi32, #tpu.memory_space<hbm>> -> memref<512xi32, #tpu.memory_space<hbm>>
    tpu.wait_dma2 semaphore(%dma_wait3A_110 : memref<!tpu.dma_semaphore, #tpu.memory_space<semaphore_mem>>) src(%dma_wait3A_114 : memref<512xi32, #tpu.memory_space<hbm>>) dst(%dma_wait3A_113 : memref<512xi32, #tpu.memory_space<vmem>>)
    %dma_start3A_115 = arith.constant 0 : i32
    %dma_start3A_116 = arith.constant 0 : i32
    %dma_start3A_117 = arith.constant 0 : i32
    %dma_start3A_118 = arith.constant 0 : i32
    %dma_start3A_119 = arith.constant 0 : i32
    %dma_start3A_120 = tpu.memref_slice %arg12[%dma_start3A_116, %dma_start3A_118, %dma_start3A_119] : memref<2x512x64xf32, #tpu.memory_space<vmem>> -> memref<1x512x64xf32, #tpu.memory_space<vmem>>
    %dma_start3A_121 = tpu.memref_squeeze %dma_start3A_120 : memref<1x512x64xf32, #tpu.memory_space<vmem>> -> memref<512x64xf32, #tpu.memory_space<vmem>>
    %dma_start3A_122 = arith.constant 0 : i32
    %dma_start3A_123 = tpu.memref_slice %arg9[%dma_start3A_115, %dma_start3A_122] : memref<2x512xi32, #tpu.memory_space<vmem>> -> memref<1x512xi32, #tpu.memory_space<vmem>>
    %dma_start3A_124 = tpu.memref_squeeze %dma_start3A_123 : memref<1x512xi32, #tpu.memory_space<vmem>> -> memref<512xi32, #tpu.memory_space<vmem>>
    %dma_start3A_125 = arith.constant 0 : i32
    %dma_start3A_126 = arith.constant 0 : i32
    %dma_start3A_127 = tpu.memref_slice %arg5[%dma_start3A_125, %dma_start3A_126] : memref<100001x64xf32, #tpu.memory_space<hbm>> -> memref<100001x64xf32, #tpu.memory_space<hbm>>
    %dma_start3A_128 = tpu.memref_slice %arg16[%dma_start3A_117] : memref<2x!tpu.dma_semaphore, #tpu.memory_space<semaphore_mem>> -> memref<1x!tpu.dma_semaphore, #tpu.memory_space<semaphore_mem>>
    %dma_start3A_129 = tpu.memref_squeeze %dma_start3A_128 : memref<1x!tpu.dma_semaphore, #tpu.memory_space<semaphore_mem>> -> memref<!tpu.dma_semaphore, #tpu.memory_space<semaphore_mem>>
    tpu.enqueue_indirect_dma source(%dma_start3A_127 : memref<100001x64xf32, #tpu.memory_space<hbm>>) target(%dma_start3A_121 : memref<512x64xf32, #tpu.memory_space<vmem>>) offsets(%dma_start3A_124 : memref<512xi32, #tpu.memory_space<vmem>>) semaphore(%dma_start3A_129 : memref<!tpu.dma_semaphore, #tpu.memory_space<semaphore_mem>>)
    %dma_start3A_130 = arith.constant 0 : i32
    %dma_start3A_131 = arith.constant 0 : i32
    %dma_start3A_132 = arith.constant 0 : i32
    %dma_start3A_133 = arith.constant 0 : i32
    %dma_start3A_134 = arith.constant 0 : i32
    %dma_start3A_135 = tpu.memref_slice %arg13[%dma_start3A_131, %dma_start3A_133, %dma_start3A_134] : memref<2x512x16xf32, #tpu.memory_space<vmem>> -> memref<1x512x16xf32, #tpu.memory_space<vmem>>
    %dma_start3A_136 = tpu.memref_squeeze %dma_start3A_135 : memref<1x512x16xf32, #tpu.memory_space<vmem>> -> memref<512x16xf32, #tpu.memory_space<vmem>>
    %dma_start3A_137 = arith.constant 0 : i32
    %dma_start3A_138 = tpu.memref_slice %arg10[%dma_start3A_130, %dma_start3A_137] : memref<2x512xi32, #tpu.memory_space<vmem>> -> memref<1x512xi32, #tpu.memory_space<vmem>>
    %dma_start3A_139 = tpu.memref_squeeze %dma_start3A_138 : memref<1x512xi32, #tpu.memory_space<vmem>> -> memref<512xi32, #tpu.memory_space<vmem>>
    %dma_start3A_140 = arith.constant 0 : i32
    %dma_start3A_141 = arith.constant 0 : i32
    %dma_start3A_142 = tpu.memref_slice %arg6[%dma_start3A_140, %dma_start3A_141] : memref<200x16xf32, #tpu.memory_space<hbm>> -> memref<200x16xf32, #tpu.memory_space<hbm>>
    %dma_start3A_143 = tpu.memref_slice %arg16[%dma_start3A_132] : memref<2x!tpu.dma_semaphore, #tpu.memory_space<semaphore_mem>> -> memref<1x!tpu.dma_semaphore, #tpu.memory_space<semaphore_mem>>
    %dma_start3A_144 = tpu.memref_squeeze %dma_start3A_143 : memref<1x!tpu.dma_semaphore, #tpu.memory_space<semaphore_mem>> -> memref<!tpu.dma_semaphore, #tpu.memory_space<semaphore_mem>>
    tpu.enqueue_indirect_dma source(%dma_start3A_142 : memref<200x16xf32, #tpu.memory_space<hbm>>) target(%dma_start3A_136 : memref<512x16xf32, #tpu.memory_space<vmem>>) offsets(%dma_start3A_139 : memref<512xi32, #tpu.memory_space<vmem>>) semaphore(%dma_start3A_144 : memref<!tpu.dma_semaphore, #tpu.memory_space<semaphore_mem>>)
    %dma_start3A_145 = arith.constant 0 : i32
    %dma_start3A_146 = arith.constant 0 : i32
    %dma_start3A_147 = arith.constant 0 : i32
    %dma_start3A_148 = arith.constant 0 : i32
    %dma_start3A_149 = arith.constant 0 : i32
    %dma_start3A_150 = tpu.memref_slice %arg14[%dma_start3A_146, %dma_start3A_148, %dma_start3A_149] : memref<2x512x16xf32, #tpu.memory_space<vmem>> -> memref<1x512x16xf32, #tpu.memory_space<vmem>>
    %dma_start3A_151 = tpu.memref_squeeze %dma_start3A_150 : memref<1x512x16xf32, #tpu.memory_space<vmem>> -> memref<512x16xf32, #tpu.memory_space<vmem>>
    %dma_start3A_152 = arith.constant 0 : i32
    %dma_start3A_153 = tpu.memref_slice %arg11[%dma_start3A_145, %dma_start3A_152] : memref<2x512xi32, #tpu.memory_space<vmem>> -> memref<1x512xi32, #tpu.memory_space<vmem>>
    %dma_start3A_154 = tpu.memref_squeeze %dma_start3A_153 : memref<1x512xi32, #tpu.memory_space<vmem>> -> memref<512xi32, #tpu.memory_space<vmem>>
    %dma_start3A_155 = arith.constant 0 : i32
    %dma_start3A_156 = arith.constant 0 : i32
    %dma_start3A_157 = tpu.memref_slice %arg7[%dma_start3A_155, %dma_start3A_156] : memref<200x16xf32, #tpu.memory_space<hbm>> -> memref<200x16xf32, #tpu.memory_space<hbm>>
    %dma_start3A_158 = tpu.memref_slice %arg16[%dma_start3A_147] : memref<2x!tpu.dma_semaphore, #tpu.memory_space<semaphore_mem>> -> memref<1x!tpu.dma_semaphore, #tpu.memory_space<semaphore_mem>>
    %dma_start3A_159 = tpu.memref_squeeze %dma_start3A_158 : memref<1x!tpu.dma_semaphore, #tpu.memory_space<semaphore_mem>> -> memref<!tpu.dma_semaphore, #tpu.memory_space<semaphore_mem>>
    tpu.enqueue_indirect_dma source(%dma_start3A_157 : memref<200x16xf32, #tpu.memory_space<hbm>>) target(%dma_start3A_151 : memref<512x16xf32, #tpu.memory_space<vmem>>) offsets(%dma_start3A_154 : memref<512xi32, #tpu.memory_space<vmem>>) semaphore(%dma_start3A_159 : memref<!tpu.dma_semaphore, #tpu.memory_space<semaphore_mem>>)
    %scan3A = arith.constant 0 : i32
    %scan3A_160 = arith.constant 1 : i32
    %scan3A_161 = arith.constant 49 : i32
    %scan3A_162 = arith.addi %scan3A_160, %scan3A_161 : i32
    %scan3A_163 = arith.constant 1 : i32
    scf.for %scan3A_360 = %scan3A_160 to %scan3A_162 step %scan3A_163  : i32 {
      %and3A = arith.constant 1 : i32
      %and3A_361 = arith.andi %scan3A_360, %and3A : i32
      %sub3A = arith.constant 1 : i32
      %sub3A_362 = arith.subi %sub3A, %and3A_361 : i32
      %dma_wait3A_363 = arith.constant 0 : i32
      %dma_wait3A_364 = arith.constant 0 : i32
      %dma_wait3A_365 = tpu.memref_slice %arg12[%sub3A_362, %dma_wait3A_363, %dma_wait3A_364] : memref<2x512x64xf32, #tpu.memory_space<vmem>> -> memref<1x512x64xf32, #tpu.memory_space<vmem>>
      %dma_wait3A_366 = tpu.memref_squeeze %dma_wait3A_365 : memref<1x512x64xf32, #tpu.memory_space<vmem>> -> memref<512x64xf32, #tpu.memory_space<vmem>>
      %dma_wait3A_367 = arith.constant 0 : i32
      %dma_wait3A_368 = tpu.memref_slice %arg9[%sub3A_362, %dma_wait3A_367] : memref<2x512xi32, #tpu.memory_space<vmem>> -> memref<1x512xi32, #tpu.memory_space<vmem>>
      %dma_wait3A_369 = tpu.memref_squeeze %dma_wait3A_368 : memref<1x512xi32, #tpu.memory_space<vmem>> -> memref<512xi32, #tpu.memory_space<vmem>>
      %dma_wait3A_370 = arith.constant 0 : i32
      %dma_wait3A_371 = arith.constant 0 : i32
      %dma_wait3A_372 = tpu.memref_slice %arg5[%dma_wait3A_370, %dma_wait3A_371] : memref<100001x64xf32, #tpu.memory_space<hbm>> -> memref<100001x64xf32, #tpu.memory_space<hbm>>
      %dma_wait3A_373 = tpu.memref_slice %arg16[%sub3A_362] : memref<2x!tpu.dma_semaphore, #tpu.memory_space<semaphore_mem>> -> memref<1x!tpu.dma_semaphore, #tpu.memory_space<semaphore_mem>>
      %dma_wait3A_374 = tpu.memref_squeeze %dma_wait3A_373 : memref<1x!tpu.dma_semaphore, #tpu.memory_space<semaphore_mem>> -> memref<!tpu.dma_semaphore, #tpu.memory_space<semaphore_mem>>
      tpu.wait_indirect_dma semaphore(%dma_wait3A_374 : memref<!tpu.dma_semaphore, #tpu.memory_space<semaphore_mem>>) src(%dma_wait3A_372 : memref<100001x64xf32, #tpu.memory_space<hbm>>) dst(%dma_wait3A_366 : memref<512x64xf32, #tpu.memory_space<vmem>>)
      %dma_wait3A_375 = arith.constant 0 : i32
      %dma_wait3A_376 = arith.constant 0 : i32
      %dma_wait3A_377 = tpu.memref_slice %arg13[%sub3A_362, %dma_wait3A_375, %dma_wait3A_376] : memref<2x512x16xf32, #tpu.memory_space<vmem>> -> memref<1x512x16xf32, #tpu.memory_space<vmem>>
      %dma_wait3A_378 = tpu.memref_squeeze %dma_wait3A_377 : memref<1x512x16xf32, #tpu.memory_space<vmem>> -> memref<512x16xf32, #tpu.memory_space<vmem>>
      %dma_wait3A_379 = arith.constant 0 : i32
      %dma_wait3A_380 = tpu.memref_slice %arg10[%sub3A_362, %dma_wait3A_379] : memref<2x512xi32, #tpu.memory_space<vmem>> -> memref<1x512xi32, #tpu.memory_space<vmem>>
      %dma_wait3A_381 = tpu.memref_squeeze %dma_wait3A_380 : memref<1x512xi32, #tpu.memory_space<vmem>> -> memref<512xi32, #tpu.memory_space<vmem>>
      %dma_wait3A_382 = arith.constant 0 : i32
      %dma_wait3A_383 = arith.constant 0 : i32
      %dma_wait3A_384 = tpu.memref_slice %arg6[%dma_wait3A_382, %dma_wait3A_383] : memref<200x16xf32, #tpu.memory_space<hbm>> -> memref<200x16xf32, #tpu.memory_space<hbm>>
      %dma_wait3A_385 = tpu.memref_slice %arg16[%sub3A_362] : memref<2x!tpu.dma_semaphore, #tpu.memory_space<semaphore_mem>> -> memref<1x!tpu.dma_semaphore, #tpu.memory_space<semaphore_mem>>
      %dma_wait3A_386 = tpu.memref_squeeze %dma_wait3A_385 : memref<1x!tpu.dma_semaphore, #tpu.memory_space<semaphore_mem>> -> memref<!tpu.dma_semaphore, #tpu.memory_space<semaphore_mem>>
      tpu.wait_indirect_dma semaphore(%dma_wait3A_386 : memref<!tpu.dma_semaphore, #tpu.memory_space<semaphore_mem>>) src(%dma_wait3A_384 : memref<200x16xf32, #tpu.memory_space<hbm>>) dst(%dma_wait3A_378 : memref<512x16xf32, #tpu.memory_space<vmem>>)
      %dma_wait3A_387 = arith.constant 0 : i32
      %dma_wait3A_388 = arith.constant 0 : i32
      %dma_wait3A_389 = tpu.memref_slice %arg14[%sub3A_362, %dma_wait3A_387, %dma_wait3A_388] : memref<2x512x16xf32, #tpu.memory_space<vmem>> -> memref<1x512x16xf32, #tpu.memory_space<vmem>>
      %dma_wait3A_390 = tpu.memref_squeeze %dma_wait3A_389 : memref<1x512x16xf32, #tpu.memory_space<vmem>> -> memref<512x16xf32, #tpu.memory_space<vmem>>
      %dma_wait3A_391 = arith.constant 0 : i32
      %dma_wait3A_392 = tpu.memref_slice %arg11[%sub3A_362, %dma_wait3A_391] : memref<2x512xi32, #tpu.memory_space<vmem>> -> memref<1x512xi32, #tpu.memory_space<vmem>>
      %dma_wait3A_393 = tpu.memref_squeeze %dma_wait3A_392 : memref<1x512xi32, #tpu.memory_space<vmem>> -> memref<512xi32, #tpu.memory_space<vmem>>
      %dma_wait3A_394 = arith.constant 0 : i32
      %dma_wait3A_395 = arith.constant 0 : i32
      %dma_wait3A_396 = tpu.memref_slice %arg7[%dma_wait3A_394, %dma_wait3A_395] : memref<200x16xf32, #tpu.memory_space<hbm>> -> memref<200x16xf32, #tpu.memory_space<hbm>>
      %dma_wait3A_397 = tpu.memref_slice %arg16[%sub3A_362] : memref<2x!tpu.dma_semaphore, #tpu.memory_space<semaphore_mem>> -> memref<1x!tpu.dma_semaphore, #tpu.memory_space<semaphore_mem>>
      %dma_wait3A_398 = tpu.memref_squeeze %dma_wait3A_397 : memref<1x!tpu.dma_semaphore, #tpu.memory_space<semaphore_mem>> -> memref<!tpu.dma_semaphore, #tpu.memory_space<semaphore_mem>>
      tpu.wait_indirect_dma semaphore(%dma_wait3A_398 : memref<!tpu.dma_semaphore, #tpu.memory_space<semaphore_mem>>) src(%dma_wait3A_396 : memref<200x16xf32, #tpu.memory_space<hbm>>) dst(%dma_wait3A_390 : memref<512x16xf32, #tpu.memory_space<vmem>>)
      %sub3A_399 = arith.constant 1 : i32
      %sub3A_400 = arith.subi %scan3A_360, %sub3A_399 : i32
      %mul3A_401 = arith.constant 512 : i32
      %mul3A_402 = arith.muli %sub3A_400, %mul3A_401 : i32
      %add3A_403 = arith.addi %mul3A_2, %mul3A_402 : i32
      %dma_start3A_404 = arith.constant 0 : i32
      %dma_start3A_405 = arith.constant 0 : i32
      %dma_start3A_406 = tpu.memref_slice %arg12[%sub3A_362, %dma_start3A_404, %dma_start3A_405] : memref<2x512x64xf32, #tpu.memory_space<vmem>> -> memref<1x512x64xf32, #tpu.memory_space<vmem>>
      %dma_start3A_407 = tpu.memref_squeeze %dma_start3A_406 : memref<1x512x64xf32, #tpu.memory_space<vmem>> -> memref<512x64xf32, #tpu.memory_space<vmem>>
      %dma_start3A_408 = arith.constant 0 : i32
      %dma_start3A_409 = tpu.memref_slice %arg8[%add3A_403, %dma_start3A_408] : memref<819200x96xf32, #tpu.memory_space<hbm>> -> memref<512x64xf32, #tpu.memory_space<hbm>>
      %dma_start3A_410 = tpu.memref_slice %arg17[%sub3A_362] : memref<2x!tpu.dma_semaphore, #tpu.memory_space<semaphore_mem>> -> memref<1x!tpu.dma_semaphore, #tpu.memory_space<semaphore_mem>>
      %dma_start3A_411 = tpu.memref_squeeze %dma_start3A_410 : memref<1x!tpu.dma_semaphore, #tpu.memory_space<semaphore_mem>> -> memref<!tpu.dma_semaphore, #tpu.memory_space<semaphore_mem>>
      %dma_start3A_412 = arith.constant 0 : i32
      %dma_start3A_413 = tpu.memref_slice %arg8[%add3A_403, %dma_start3A_412] : memref<819200x96xf32, #tpu.memory_space<hbm>> -> memref<512x64xf32, #tpu.memory_space<hbm>>
      %dma_start3A_414 = arith.constant 0 : i32
      %dma_start3A_415 = arith.constant 0 : i32
      %dma_start3A_416 = tpu.memref_slice %arg12[%sub3A_362, %dma_start3A_414, %dma_start3A_415] : memref<2x512x64xf32, #tpu.memory_space<vmem>> -> memref<1x512x64xf32, #tpu.memory_space<vmem>>
      %dma_start3A_417 = tpu.memref_squeeze %dma_start3A_416 : memref<1x512x64xf32, #tpu.memory_space<vmem>> -> memref<512x64xf32, #tpu.memory_space<vmem>>
      tpu.enqueue_dma source(%dma_start3A_417 : memref<512x64xf32, #tpu.memory_space<vmem>>) target(%dma_start3A_413 : memref<512x64xf32, #tpu.memory_space<hbm>>) target_semaphore(%dma_start3A_411 : memref<!tpu.dma_semaphore, #tpu.memory_space<semaphore_mem>>)
      %dma_start3A_418 = arith.constant 0 : i32
      %dma_start3A_419 = arith.constant 0 : i32
      %dma_start3A_420 = tpu.memref_slice %arg13[%sub3A_362, %dma_start3A_418, %dma_start3A_419] : memref<2x512x16xf32, #tpu.memory_space<vmem>> -> memref<1x512x16xf32, #tpu.memory_space<vmem>>
      %dma_start3A_421 = tpu.memref_squeeze %dma_start3A_420 : memref<1x512x16xf32, #tpu.memory_space<vmem>> -> memref<512x16xf32, #tpu.memory_space<vmem>>
      %dma_start3A_422 = arith.constant 64 : i32
      %dma_start3A_423 = tpu.memref_slice %arg8[%add3A_403, %dma_start3A_422] : memref<819200x96xf32, #tpu.memory_space<hbm>> -> memref<512x16xf32, #tpu.memory_space<hbm>>
      %dma_start3A_424 = tpu.memref_slice %arg17[%sub3A_362] : memref<2x!tpu.dma_semaphore, #tpu.memory_space<semaphore_mem>> -> memref<1x!tpu.dma_semaphore, #tpu.memory_space<semaphore_mem>>
      %dma_start3A_425 = tpu.memref_squeeze %dma_start3A_424 : memref<1x!tpu.dma_semaphore, #tpu.memory_space<semaphore_mem>> -> memref<!tpu.dma_semaphore, #tpu.memory_space<semaphore_mem>>
      %dma_start3A_426 = arith.constant 64 : i32
      %dma_start3A_427 = tpu.memref_slice %arg8[%add3A_403, %dma_start3A_426] : memref<819200x96xf32, #tpu.memory_space<hbm>> -> memref<512x16xf32, #tpu.memory_space<hbm>>
      %dma_start3A_428 = arith.constant 0 : i32
      %dma_start3A_429 = arith.constant 0 : i32
      %dma_start3A_430 = tpu.memref_slice %arg13[%sub3A_362, %dma_start3A_428, %dma_start3A_429] : memref<2x512x16xf32, #tpu.memory_space<vmem>> -> memref<1x512x16xf32, #tpu.memory_space<vmem>>
      %dma_start3A_431 = tpu.memref_squeeze %dma_start3A_430 : memref<1x512x16xf32, #tpu.memory_space<vmem>> -> memref<512x16xf32, #tpu.memory_space<vmem>>
      tpu.enqueue_dma source(%dma_start3A_431 : memref<512x16xf32, #tpu.memory_space<vmem>>) target(%dma_start3A_427 : memref<512x16xf32, #tpu.memory_space<hbm>>) target_semaphore(%dma_start3A_425 : memref<!tpu.dma_semaphore, #tpu.memory_space<semaphore_mem>>)
      %dma_start3A_432 = arith.constant 0 : i32
      %dma_start3A_433 = arith.constant 0 : i32
      %dma_start3A_434 = tpu.memref_slice %arg14[%sub3A_362, %dma_start3A_432, %dma_start3A_433] : memref<2x512x16xf32, #tpu.memory_space<vmem>> -> memref<1x512x16xf32, #tpu.memory_space<vmem>>
      %dma_start3A_435 = tpu.memref_squeeze %dma_start3A_434 : memref<1x512x16xf32, #tpu.memory_space<vmem>> -> memref<512x16xf32, #tpu.memory_space<vmem>>
      %dma_start3A_436 = arith.constant 80 : i32
      %dma_start3A_437 = tpu.memref_slice %arg8[%add3A_403, %dma_start3A_436] : memref<819200x96xf32, #tpu.memory_space<hbm>> -> memref<512x16xf32, #tpu.memory_space<hbm>>
      %dma_start3A_438 = tpu.memref_slice %arg17[%sub3A_362] : memref<2x!tpu.dma_semaphore, #tpu.memory_space<semaphore_mem>> -> memref<1x!tpu.dma_semaphore, #tpu.memory_space<semaphore_mem>>
      %dma_start3A_439 = tpu.memref_squeeze %dma_start3A_438 : memref<1x!tpu.dma_semaphore, #tpu.memory_space<semaphore_mem>> -> memref<!tpu.dma_semaphore, #tpu.memory_space<semaphore_mem>>
      %dma_start3A_440 = arith.constant 80 : i32
      %dma_start3A_441 = tpu.memref_slice %arg8[%add3A_403, %dma_start3A_440] : memref<819200x96xf32, #tpu.memory_space<hbm>> -> memref<512x16xf32, #tpu.memory_space<hbm>>
      %dma_start3A_442 = arith.constant 0 : i32
      %dma_start3A_443 = arith.constant 0 : i32
      %dma_start3A_444 = tpu.memref_slice %arg14[%sub3A_362, %dma_start3A_442, %dma_start3A_443] : memref<2x512x16xf32, #tpu.memory_space<vmem>> -> memref<1x512x16xf32, #tpu.memory_space<vmem>>
      %dma_start3A_445 = tpu.memref_squeeze %dma_start3A_444 : memref<1x512x16xf32, #tpu.memory_space<vmem>> -> memref<512x16xf32, #tpu.memory_space<vmem>>
      tpu.enqueue_dma source(%dma_start3A_445 : memref<512x16xf32, #tpu.memory_space<vmem>>) target(%dma_start3A_441 : memref<512x16xf32, #tpu.memory_space<hbm>>) target_semaphore(%dma_start3A_439 : memref<!tpu.dma_semaphore, #tpu.memory_space<semaphore_mem>>)
      %add3A_446 = arith.constant 1 : i32
      %add3A_447 = arith.addi %scan3A_360, %add3A_446 : i32
      %lt3A = arith.constant 50 : i32
      %lt3A_448 = arith.cmpi slt, %add3A_447, %lt3A : i32
      %convert_element_type3A = arith.extui %lt3A_448 : i1 to i32
      %cond3A = arith.constant 0 : i32
      %cond3A_449 = arith.cmpi ne, %convert_element_type3A, %cond3A : i32
      scf.if %cond3A_449 {
        %add3A_523 = arith.constant 1 : i32
        %add3A_524 = arith.addi %scan3A_360, %add3A_523 : i32
        %mul3A_525 = arith.constant 512 : i32
        %mul3A_526 = arith.muli %add3A_524, %mul3A_525 : i32
        %add3A_527 = arith.addi %mul3A_2, %mul3A_526 : i32
        %dma_start3A_528 = arith.constant 0 : i32
        %dma_start3A_529 = tpu.memref_slice %arg9[%sub3A_362, %dma_start3A_528] : memref<2x512xi32, #tpu.memory_space<vmem>> -> memref<1x512xi32, #tpu.memory_space<vmem>>
        %dma_start3A_530 = tpu.memref_squeeze %dma_start3A_529 : memref<1x512xi32, #tpu.memory_space<vmem>> -> memref<512xi32, #tpu.memory_space<vmem>>
        %dma_start3A_531 = tpu.memref_slice %arg2[%add3A_527] : memref<819200xi32, #tpu.memory_space<hbm>> -> memref<512xi32, #tpu.memory_space<hbm>>
        %dma_start3A_532 = tpu.memref_slice %arg15[%sub3A_362] : memref<2x!tpu.dma_semaphore, #tpu.memory_space<semaphore_mem>> -> memref<1x!tpu.dma_semaphore, #tpu.memory_space<semaphore_mem>>
        %dma_start3A_533 = tpu.memref_squeeze %dma_start3A_532 : memref<1x!tpu.dma_semaphore, #tpu.memory_space<semaphore_mem>> -> memref<!tpu.dma_semaphore, #tpu.memory_space<semaphore_mem>>
        %dma_start3A_534 = arith.constant 0 : i32
        %dma_start3A_535 = tpu.memref_slice %arg9[%sub3A_362, %dma_start3A_534] : memref<2x512xi32, #tpu.memory_space<vmem>> -> memref<1x512xi32, #tpu.memory_space<vmem>>
        %dma_start3A_536 = tpu.memref_squeeze %dma_start3A_535 : memref<1x512xi32, #tpu.memory_space<vmem>> -> memref<512xi32, #tpu.memory_space<vmem>>
        %dma_start3A_537 = tpu.memref_slice %arg2[%add3A_527] : memref<819200xi32, #tpu.memory_space<hbm>> -> memref<512xi32, #tpu.memory_space<hbm>>
        tpu.enqueue_dma source(%dma_start3A_537 : memref<512xi32, #tpu.memory_space<hbm>>) target(%dma_start3A_536 : memref<512xi32, #tpu.memory_space<vmem>>) target_semaphore(%dma_start3A_533 : memref<!tpu.dma_semaphore, #tpu.memory_space<semaphore_mem>>)
        %dma_start3A_538 = arith.constant 0 : i32
        %dma_start3A_539 = tpu.memref_slice %arg10[%sub3A_362, %dma_start3A_538] : memref<2x512xi32, #tpu.memory_space<vmem>> -> memref<1x512xi32, #tpu.memory_space<vmem>>
        %dma_start3A_540 = tpu.memref_squeeze %dma_start3A_539 : memref<1x512xi32, #tpu.memory_space<vmem>> -> memref<512xi32, #tpu.memory_space<vmem>>
        %dma_start3A_541 = tpu.memref_slice %arg3[%add3A_527] : memref<819200xi32, #tpu.memory_space<hbm>> -> memref<512xi32, #tpu.memory_space<hbm>>
        %dma_start3A_542 = tpu.memref_slice %arg15[%sub3A_362] : memref<2x!tpu.dma_semaphore, #tpu.memory_space<semaphore_mem>> -> memref<1x!tpu.dma_semaphore, #tpu.memory_space<semaphore_mem>>
        %dma_start3A_543 = tpu.memref_squeeze %dma_start3A_542 : memref<1x!tpu.dma_semaphore, #tpu.memory_space<semaphore_mem>> -> memref<!tpu.dma_semaphore, #tpu.memory_space<semaphore_mem>>
        %dma_start3A_544 = arith.constant 0 : i32
        %dma_start3A_545 = tpu.memref_slice %arg10[%sub3A_362, %dma_start3A_544] : memref<2x512xi32, #tpu.memory_space<vmem>> -> memref<1x512xi32, #tpu.memory_space<vmem>>
        %dma_start3A_546 = tpu.memref_squeeze %dma_start3A_545 : memref<1x512xi32, #tpu.memory_space<vmem>> -> memref<512xi32, #tpu.memory_space<vmem>>
        %dma_start3A_547 = tpu.memref_slice %arg3[%add3A_527] : memref<819200xi32, #tpu.memory_space<hbm>> -> memref<512xi32, #tpu.memory_space<hbm>>
        tpu.enqueue_dma source(%dma_start3A_547 : memref<512xi32, #tpu.memory_space<hbm>>) target(%dma_start3A_546 : memref<512xi32, #tpu.memory_space<vmem>>) target_semaphore(%dma_start3A_543 : memref<!tpu.dma_semaphore, #tpu.memory_space<semaphore_mem>>)
        %dma_start3A_548 = arith.constant 0 : i32
        %dma_start3A_549 = tpu.memref_slice %arg11[%sub3A_362, %dma_start3A_548] : memref<2x512xi32, #tpu.memory_space<vmem>> -> memref<1x512xi32, #tpu.memory_space<vmem>>
        %dma_start3A_550 = tpu.memref_squeeze %dma_start3A_549 : memref<1x512xi32, #tpu.memory_space<vmem>> -> memref<512xi32, #tpu.memory_space<vmem>>
        %dma_start3A_551 = tpu.memref_slice %arg4[%add3A_527] : memref<819200xi32, #tpu.memory_space<hbm>> -> memref<512xi32, #tpu.memory_space<hbm>>
        %dma_start3A_552 = tpu.memref_slice %arg15[%sub3A_362] : memref<2x!tpu.dma_semaphore, #tpu.memory_space<semaphore_mem>> -> memref<1x!tpu.dma_semaphore, #tpu.memory_space<semaphore_mem>>
        %dma_start3A_553 = tpu.memref_squeeze %dma_start3A_552 : memref<1x!tpu.dma_semaphore, #tpu.memory_space<semaphore_mem>> -> memref<!tpu.dma_semaphore, #tpu.memory_space<semaphore_mem>>
        %dma_start3A_554 = arith.constant 0 : i32
        %dma_start3A_555 = tpu.memref_slice %arg11[%sub3A_362, %dma_start3A_554] : memref<2x512xi32, #tpu.memory_space<vmem>> -> memref<1x512xi32, #tpu.memory_space<vmem>>
        %dma_start3A_556 = tpu.memref_squeeze %dma_start3A_555 : memref<1x512xi32, #tpu.memory_space<vmem>> -> memref<512xi32, #tpu.memory_space<vmem>>
        %dma_start3A_557 = tpu.memref_slice %arg4[%add3A_527] : memref<819200xi32, #tpu.memory_space<hbm>> -> memref<512xi32, #tpu.memory_space<hbm>>
        tpu.enqueue_dma source(%dma_start3A_557 : memref<512xi32, #tpu.memory_space<hbm>>) target(%dma_start3A_556 : memref<512xi32, #tpu.memory_space<vmem>>) target_semaphore(%dma_start3A_553 : memref<!tpu.dma_semaphore, #tpu.memory_space<semaphore_mem>>)
      } else {
      }
      %mul3A_450 = arith.constant 512 : i32
      %mul3A_451 = arith.muli %scan3A_360, %mul3A_450 : i32
      %add3A_452 = arith.addi %mul3A_2, %mul3A_451 : i32
      %dma_wait3A_453 = arith.constant 0 : i32
      %dma_wait3A_454 = tpu.memref_slice %arg9[%and3A_361, %dma_wait3A_453] : memref<2x512xi32, #tpu.memory_space<vmem>> -> memref<1x512xi32, #tpu.memory_space<vmem>>
      %dma_wait3A_455 = tpu.memref_squeeze %dma_wait3A_454 : memref<1x512xi32, #tpu.memory_space<vmem>> -> memref<512xi32, #tpu.memory_space<vmem>>
      %dma_wait3A_456 = tpu.memref_slice %arg2[%add3A_452] : memref<819200xi32, #tpu.memory_space<hbm>> -> memref<512xi32, #tpu.memory_space<hbm>>
      %dma_wait3A_457 = tpu.memref_slice %arg15[%and3A_361] : memref<2x!tpu.dma_semaphore, #tpu.memory_space<semaphore_mem>> -> memref<1x!tpu.dma_semaphore, #tpu.memory_space<semaphore_mem>>
      %dma_wait3A_458 = tpu.memref_squeeze %dma_wait3A_457 : memref<1x!tpu.dma_semaphore, #tpu.memory_space<semaphore_mem>> -> memref<!tpu.dma_semaphore, #tpu.memory_space<semaphore_mem>>
      %dma_wait3A_459 = arith.constant 0 : i32
      %dma_wait3A_460 = tpu.memref_slice %arg9[%and3A_361, %dma_wait3A_459] : memref<2x512xi32, #tpu.memory_space<vmem>> -> memref<1x512xi32, #tpu.memory_space<vmem>>
      %dma_wait3A_461 = tpu.memref_squeeze %dma_wait3A_460 : memref<1x512xi32, #tpu.memory_space<vmem>> -> memref<512xi32, #tpu.memory_space<vmem>>
      %dma_wait3A_462 = tpu.memref_slice %arg2[%add3A_452] : memref<819200xi32, #tpu.memory_space<hbm>> -> memref<512xi32, #tpu.memory_space<hbm>>
      tpu.wait_dma2 semaphore(%dma_wait3A_458 : memref<!tpu.dma_semaphore, #tpu.memory_space<semaphore_mem>>) src(%dma_wait3A_462 : memref<512xi32, #tpu.memory_space<hbm>>) dst(%dma_wait3A_461 : memref<512xi32, #tpu.memory_space<vmem>>)
      %dma_wait3A_463 = arith.constant 0 : i32
      %dma_wait3A_464 = tpu.memref_slice %arg10[%and3A_361, %dma_wait3A_463] : memref<2x512xi32, #tpu.memory_space<vmem>> -> memref<1x512xi32, #tpu.memory_space<vmem>>
      %dma_wait3A_465 = tpu.memref_squeeze %dma_wait3A_464 : memref<1x512xi32, #tpu.memory_space<vmem>> -> memref<512xi32, #tpu.memory_space<vmem>>
      %dma_wait3A_466 = tpu.memref_slice %arg3[%add3A_452] : memref<819200xi32, #tpu.memory_space<hbm>> -> memref<512xi32, #tpu.memory_space<hbm>>
      %dma_wait3A_467 = tpu.memref_slice %arg15[%and3A_361] : memref<2x!tpu.dma_semaphore, #tpu.memory_space<semaphore_mem>> -> memref<1x!tpu.dma_semaphore, #tpu.memory_space<semaphore_mem>>
      %dma_wait3A_468 = tpu.memref_squeeze %dma_wait3A_467 : memref<1x!tpu.dma_semaphore, #tpu.memory_space<semaphore_mem>> -> memref<!tpu.dma_semaphore, #tpu.memory_space<semaphore_mem>>
      %dma_wait3A_469 = arith.constant 0 : i32
      %dma_wait3A_470 = tpu.memref_slice %arg10[%and3A_361, %dma_wait3A_469] : memref<2x512xi32, #tpu.memory_space<vmem>> -> memref<1x512xi32, #tpu.memory_space<vmem>>
      %dma_wait3A_471 = tpu.memref_squeeze %dma_wait3A_470 : memref<1x512xi32, #tpu.memory_space<vmem>> -> memref<512xi32, #tpu.memory_space<vmem>>
      %dma_wait3A_472 = tpu.memref_slice %arg3[%add3A_452] : memref<819200xi32, #tpu.memory_space<hbm>> -> memref<512xi32, #tpu.memory_space<hbm>>
      tpu.wait_dma2 semaphore(%dma_wait3A_468 : memref<!tpu.dma_semaphore, #tpu.memory_space<semaphore_mem>>) src(%dma_wait3A_472 : memref<512xi32, #tpu.memory_space<hbm>>) dst(%dma_wait3A_471 : memref<512xi32, #tpu.memory_space<vmem>>)
      %dma_wait3A_473 = arith.constant 0 : i32
      %dma_wait3A_474 = tpu.memref_slice %arg11[%and3A_361, %dma_wait3A_473] : memref<2x512xi32, #tpu.memory_space<vmem>> -> memref<1x512xi32, #tpu.memory_space<vmem>>
      %dma_wait3A_475 = tpu.memref_squeeze %dma_wait3A_474 : memref<1x512xi32, #tpu.memory_space<vmem>> -> memref<512xi32, #tpu.memory_space<vmem>>
      %dma_wait3A_476 = tpu.memref_slice %arg4[%add3A_452] : memref<819200xi32, #tpu.memory_space<hbm>> -> memref<512xi32, #tpu.memory_space<hbm>>
      %dma_wait3A_477 = tpu.memref_slice %arg15[%and3A_361] : memref<2x!tpu.dma_semaphore, #tpu.memory_space<semaphore_mem>> -> memref<1x!tpu.dma_semaphore, #tpu.memory_space<semaphore_mem>>
      %dma_wait3A_478 = tpu.memref_squeeze %dma_wait3A_477 : memref<1x!tpu.dma_semaphore, #tpu.memory_space<semaphore_mem>> -> memref<!tpu.dma_semaphore, #tpu.memory_space<semaphore_mem>>
      %dma_wait3A_479 = arith.constant 0 : i32
      %dma_wait3A_480 = tpu.memref_slice %arg11[%and3A_361, %dma_wait3A_479] : memref<2x512xi32, #tpu.memory_space<vmem>> -> memref<1x512xi32, #tpu.memory_space<vmem>>
      %dma_wait3A_481 = tpu.memref_squeeze %dma_wait3A_480 : memref<1x512xi32, #tpu.memory_space<vmem>> -> memref<512xi32, #tpu.memory_space<vmem>>
      %dma_wait3A_482 = tpu.memref_slice %arg4[%add3A_452] : memref<819200xi32, #tpu.memory_space<hbm>> -> memref<512xi32, #tpu.memory_space<hbm>>
      tpu.wait_dma2 semaphore(%dma_wait3A_478 : memref<!tpu.dma_semaphore, #tpu.memory_space<semaphore_mem>>) src(%dma_wait3A_482 : memref<512xi32, #tpu.memory_space<hbm>>) dst(%dma_wait3A_481 : memref<512xi32, #tpu.memory_space<vmem>>)
      %ge3A = arith.constant 2 : i32
      %ge3A_483 = arith.cmpi sge, %scan3A_360, %ge3A : i32
      %convert_element_type3A_484 = arith.extui %ge3A_483 : i1 to i32
      %cond3A_485 = arith.constant 0 : i32
      %cond3A_486 = arith.cmpi ne, %convert_element_type3A_484, %cond3A_485 : i32
      scf.if %cond3A_486 {
        %sub3A_523 = arith.constant 2 : i32
        %sub3A_524 = arith.subi %scan3A_360, %sub3A_523 : i32
        %mul3A_525 = arith.constant 512 : i32
        %mul3A_526 = arith.muli %sub3A_524, %mul3A_525 : i32
        %add3A_527 = arith.addi %mul3A_2, %mul3A_526 : i32
        %dma_wait3A_528 = arith.constant 0 : i32
        %dma_wait3A_529 = arith.constant 0 : i32
        %dma_wait3A_530 = tpu.memref_slice %arg12[%and3A_361, %dma_wait3A_528, %dma_wait3A_529] : memref<2x512x64xf32, #tpu.memory_space<vmem>> -> memref<1x512x64xf32, #tpu.memory_space<vmem>>
        %dma_wait3A_531 = tpu.memref_squeeze %dma_wait3A_530 : memref<1x512x64xf32, #tpu.memory_space<vmem>> -> memref<512x64xf32, #tpu.memory_space<vmem>>
        %dma_wait3A_532 = arith.constant 0 : i32
        %dma_wait3A_533 = tpu.memref_slice %arg8[%add3A_527, %dma_wait3A_532] : memref<819200x96xf32, #tpu.memory_space<hbm>> -> memref<512x64xf32, #tpu.memory_space<hbm>>
        %dma_wait3A_534 = tpu.memref_slice %arg17[%and3A_361] : memref<2x!tpu.dma_semaphore, #tpu.memory_space<semaphore_mem>> -> memref<1x!tpu.dma_semaphore, #tpu.memory_space<semaphore_mem>>
        %dma_wait3A_535 = tpu.memref_squeeze %dma_wait3A_534 : memref<1x!tpu.dma_semaphore, #tpu.memory_space<semaphore_mem>> -> memref<!tpu.dma_semaphore, #tpu.memory_space<semaphore_mem>>
        %dma_wait3A_536 = arith.constant 0 : i32
        %dma_wait3A_537 = tpu.memref_slice %arg8[%add3A_527, %dma_wait3A_536] : memref<819200x96xf32, #tpu.memory_space<hbm>> -> memref<512x64xf32, #tpu.memory_space<hbm>>
        %dma_wait3A_538 = arith.constant 0 : i32
        %dma_wait3A_539 = arith.constant 0 : i32
        %dma_wait3A_540 = tpu.memref_slice %arg12[%and3A_361, %dma_wait3A_538, %dma_wait3A_539] : memref<2x512x64xf32, #tpu.memory_space<vmem>> -> memref<1x512x64xf32, #tpu.memory_space<vmem>>
        %dma_wait3A_541 = tpu.memref_squeeze %dma_wait3A_540 : memref<1x512x64xf32, #tpu.memory_space<vmem>> -> memref<512x64xf32, #tpu.memory_space<vmem>>
        tpu.wait_dma2 semaphore(%dma_wait3A_535 : memref<!tpu.dma_semaphore, #tpu.memory_space<semaphore_mem>>) src(%dma_wait3A_541 : memref<512x64xf32, #tpu.memory_space<vmem>>) dst(%dma_wait3A_537 : memref<512x64xf32, #tpu.memory_space<hbm>>)
        %dma_wait3A_542 = arith.constant 0 : i32
        %dma_wait3A_543 = arith.constant 0 : i32
        %dma_wait3A_544 = tpu.memref_slice %arg13[%and3A_361, %dma_wait3A_542, %dma_wait3A_543] : memref<2x512x16xf32, #tpu.memory_space<vmem>> -> memref<1x512x16xf32, #tpu.memory_space<vmem>>
        %dma_wait3A_545 = tpu.memref_squeeze %dma_wait3A_544 : memref<1x512x16xf32, #tpu.memory_space<vmem>> -> memref<512x16xf32, #tpu.memory_space<vmem>>
        %dma_wait3A_546 = arith.constant 64 : i32
        %dma_wait3A_547 = tpu.memref_slice %arg8[%add3A_527, %dma_wait3A_546] : memref<819200x96xf32, #tpu.memory_space<hbm>> -> memref<512x16xf32, #tpu.memory_space<hbm>>
        %dma_wait3A_548 = tpu.memref_slice %arg17[%and3A_361] : memref<2x!tpu.dma_semaphore, #tpu.memory_space<semaphore_mem>> -> memref<1x!tpu.dma_semaphore, #tpu.memory_space<semaphore_mem>>
        %dma_wait3A_549 = tpu.memref_squeeze %dma_wait3A_548 : memref<1x!tpu.dma_semaphore, #tpu.memory_space<semaphore_mem>> -> memref<!tpu.dma_semaphore, #tpu.memory_space<semaphore_mem>>
        %dma_wait3A_550 = arith.constant 64 : i32
        %dma_wait3A_551 = tpu.memref_slice %arg8[%add3A_527, %dma_wait3A_550] : memref<819200x96xf32, #tpu.memory_space<hbm>> -> memref<512x16xf32, #tpu.memory_space<hbm>>
        %dma_wait3A_552 = arith.constant 0 : i32
        %dma_wait3A_553 = arith.constant 0 : i32
        %dma_wait3A_554 = tpu.memref_slice %arg13[%and3A_361, %dma_wait3A_552, %dma_wait3A_553] : memref<2x512x16xf32, #tpu.memory_space<vmem>> -> memref<1x512x16xf32, #tpu.memory_space<vmem>>
        %dma_wait3A_555 = tpu.memref_squeeze %dma_wait3A_554 : memref<1x512x16xf32, #tpu.memory_space<vmem>> -> memref<512x16xf32, #tpu.memory_space<vmem>>
        tpu.wait_dma2 semaphore(%dma_wait3A_549 : memref<!tpu.dma_semaphore, #tpu.memory_space<semaphore_mem>>) src(%dma_wait3A_555 : memref<512x16xf32, #tpu.memory_space<vmem>>) dst(%dma_wait3A_551 : memref<512x16xf32, #tpu.memory_space<hbm>>)
        %dma_wait3A_556 = arith.constant 0 : i32
        %dma_wait3A_557 = arith.constant 0 : i32
        %dma_wait3A_558 = tpu.memref_slice %arg14[%and3A_361, %dma_wait3A_556, %dma_wait3A_557] : memref<2x512x16xf32, #tpu.memory_space<vmem>> -> memref<1x512x16xf32, #tpu.memory_space<vmem>>
        %dma_wait3A_559 = tpu.memref_squeeze %dma_wait3A_558 : memref<1x512x16xf32, #tpu.memory_space<vmem>> -> memref<512x16xf32, #tpu.memory_space<vmem>>
        %dma_wait3A_560 = arith.constant 80 : i32
        %dma_wait3A_561 = tpu.memref_slice %arg8[%add3A_527, %dma_wait3A_560] : memref<819200x96xf32, #tpu.memory_space<hbm>> -> memref<512x16xf32, #tpu.memory_space<hbm>>
        %dma_wait3A_562 = tpu.memref_slice %arg17[%and3A_361] : memref<2x!tpu.dma_semaphore, #tpu.memory_space<semaphore_mem>> -> memref<1x!tpu.dma_semaphore, #tpu.memory_space<semaphore_mem>>
        %dma_wait3A_563 = tpu.memref_squeeze %dma_wait3A_562 : memref<1x!tpu.dma_semaphore, #tpu.memory_space<semaphore_mem>> -> memref<!tpu.dma_semaphore, #tpu.memory_space<semaphore_mem>>
        %dma_wait3A_564 = arith.constant 80 : i32
        %dma_wait3A_565 = tpu.memref_slice %arg8[%add3A_527, %dma_wait3A_564] : memref<819200x96xf32, #tpu.memory_space<hbm>> -> memref<512x16xf32, #tpu.memory_space<hbm>>
        %dma_wait3A_566 = arith.constant 0 : i32
        %dma_wait3A_567 = arith.constant 0 : i32
        %dma_wait3A_568 = tpu.memref_slice %arg14[%and3A_361, %dma_wait3A_566, %dma_wait3A_567] : memref<2x512x16xf32, #tpu.memory_space<vmem>> -> memref<1x512x16xf32, #tpu.memory_space<vmem>>
        %dma_wait3A_569 = tpu.memref_squeeze %dma_wait3A_568 : memref<1x512x16xf32, #tpu.memory_space<vmem>> -> memref<512x16xf32, #tpu.memory_space<vmem>>
        tpu.wait_dma2 semaphore(%dma_wait3A_563 : memref<!tpu.dma_semaphore, #tpu.memory_space<semaphore_mem>>) src(%dma_wait3A_569 : memref<512x16xf32, #tpu.memory_space<vmem>>) dst(%dma_wait3A_565 : memref<512x16xf32, #tpu.memory_space<hbm>>)
      } else {
      }
      %dma_start3A_487 = arith.constant 0 : i32
      %dma_start3A_488 = arith.constant 0 : i32
      %dma_start3A_489 = tpu.memref_slice %arg12[%and3A_361, %dma_start3A_487, %dma_start3A_488] : memref<2x512x64xf32, #tpu.memory_space<vmem>> -> memref<1x512x64xf32, #tpu.memory_space<vmem>>
      %dma_start3A_490 = tpu.memref_squeeze %dma_start3A_489 : memref<1x512x64xf32, #tpu.memory_space<vmem>> -> memref<512x64xf32, #tpu.memory_space<vmem>>
      %dma_start3A_491 = arith.constant 0 : i32
      %dma_start3A_492 = tpu.memref_slice %arg9[%and3A_361, %dma_start3A_491] : memref<2x512xi32, #tpu.memory_space<vmem>> -> memref<1x512xi32, #tpu.memory_space<vmem>>
      %dma_start3A_493 = tpu.memref_squeeze %dma_start3A_492 : memref<1x512xi32, #tpu.memory_space<vmem>> -> memref<512xi32, #tpu.memory_space<vmem>>
      %dma_start3A_494 = arith.constant 0 : i32
      %dma_start3A_495 = arith.constant 0 : i32
      %dma_start3A_496 = tpu.memref_slice %arg5[%dma_start3A_494, %dma_start3A_495] : memref<100001x64xf32, #tpu.memory_space<hbm>> -> memref<100001x64xf32, #tpu.memory_space<hbm>>
      %dma_start3A_497 = tpu.memref_slice %arg16[%and3A_361] : memref<2x!tpu.dma_semaphore, #tpu.memory_space<semaphore_mem>> -> memref<1x!tpu.dma_semaphore, #tpu.memory_space<semaphore_mem>>
      %dma_start3A_498 = tpu.memref_squeeze %dma_start3A_497 : memref<1x!tpu.dma_semaphore, #tpu.memory_space<semaphore_mem>> -> memref<!tpu.dma_semaphore, #tpu.memory_space<semaphore_mem>>
      tpu.enqueue_indirect_dma source(%dma_start3A_496 : memref<100001x64xf32, #tpu.memory_space<hbm>>) target(%dma_start3A_490 : memref<512x64xf32, #tpu.memory_space<vmem>>) offsets(%dma_start3A_493 : memref<512xi32, #tpu.memory_space<vmem>>) semaphore(%dma_start3A_498 : memref<!tpu.dma_semaphore, #tpu.memory_space<semaphore_mem>>)
      %dma_start3A_499 = arith.constant 0 : i32
      %dma_start3A_500 = arith.constant 0 : i32
      %dma_start3A_501 = tpu.memref_slice %arg13[%and3A_361, %dma_start3A_499, %dma_start3A_500] : memref<2x512x16xf32, #tpu.memory_space<vmem>> -> memref<1x512x16xf32, #tpu.memory_space<vmem>>
      %dma_start3A_502 = tpu.memref_squeeze %dma_start3A_501 : memref<1x512x16xf32, #tpu.memory_space<vmem>> -> memref<512x16xf32, #tpu.memory_space<vmem>>
      %dma_start3A_503 = arith.constant 0 : i32
      %dma_start3A_504 = tpu.memref_slice %arg10[%and3A_361, %dma_start3A_503] : memref<2x512xi32, #tpu.memory_space<vmem>> -> memref<1x512xi32, #tpu.memory_space<vmem>>
      %dma_start3A_505 = tpu.memref_squeeze %dma_start3A_504 : memref<1x512xi32, #tpu.memory_space<vmem>> -> memref<512xi32, #tpu.memory_space<vmem>>
      %dma_start3A_506 = arith.constant 0 : i32
      %dma_start3A_507 = arith.constant 0 : i32
      %dma_start3A_508 = tpu.memref_slice %arg6[%dma_start3A_506, %dma_start3A_507] : memref<200x16xf32, #tpu.memory_space<hbm>> -> memref<200x16xf32, #tpu.memory_space<hbm>>
      %dma_start3A_509 = tpu.memref_slice %arg16[%and3A_361] : memref<2x!tpu.dma_semaphore, #tpu.memory_space<semaphore_mem>> -> memref<1x!tpu.dma_semaphore, #tpu.memory_space<semaphore_mem>>
      %dma_start3A_510 = tpu.memref_squeeze %dma_start3A_509 : memref<1x!tpu.dma_semaphore, #tpu.memory_space<semaphore_mem>> -> memref<!tpu.dma_semaphore, #tpu.memory_space<semaphore_mem>>
      tpu.enqueue_indirect_dma source(%dma_start3A_508 : memref<200x16xf32, #tpu.memory_space<hbm>>) target(%dma_start3A_502 : memref<512x16xf32, #tpu.memory_space<vmem>>) offsets(%dma_start3A_505 : memref<512xi32, #tpu.memory_space<vmem>>) semaphore(%dma_start3A_510 : memref<!tpu.dma_semaphore, #tpu.memory_space<semaphore_mem>>)
      %dma_start3A_511 = arith.constant 0 : i32
      %dma_start3A_512 = arith.constant 0 : i32
      %dma_start3A_513 = tpu.memref_slice %arg14[%and3A_361, %dma_start3A_511, %dma_start3A_512] : memref<2x512x16xf32, #tpu.memory_space<vmem>> -> memref<1x512x16xf32, #tpu.memory_space<vmem>>
      %dma_start3A_514 = tpu.memref_squeeze %dma_start3A_513 : memref<1x512x16xf32, #tpu.memory_space<vmem>> -> memref<512x16xf32, #tpu.memory_space<vmem>>
      %dma_start3A_515 = arith.constant 0 : i32
      %dma_start3A_516 = tpu.memref_slice %arg11[%and3A_361, %dma_start3A_515] : memref<2x512xi32, #tpu.memory_space<vmem>> -> memref<1x512xi32, #tpu.memory_space<vmem>>
      %dma_start3A_517 = tpu.memref_squeeze %dma_start3A_516 : memref<1x512xi32, #tpu.memory_space<vmem>> -> memref<512xi32, #tpu.memory_space<vmem>>
      %dma_start3A_518 = arith.constant 0 : i32
      %dma_start3A_519 = arith.constant 0 : i32
      %dma_start3A_520 = tpu.memref_slice %arg7[%dma_start3A_518, %dma_start3A_519] : memref<200x16xf32, #tpu.memory_space<hbm>> -> memref<200x16xf32, #tpu.memory_space<hbm>>
      %dma_start3A_521 = tpu.memref_slice %arg16[%and3A_361] : memref<2x!tpu.dma_semaphore, #tpu.memory_space<semaphore_mem>> -> memref<1x!tpu.dma_semaphore, #tpu.memory_space<semaphore_mem>>
      %dma_start3A_522 = tpu.memref_squeeze %dma_start3A_521 : memref<1x!tpu.dma_semaphore, #tpu.memory_space<semaphore_mem>> -> memref<!tpu.dma_semaphore, #tpu.memory_space<semaphore_mem>>
      tpu.enqueue_indirect_dma source(%dma_start3A_520 : memref<200x16xf32, #tpu.memory_space<hbm>>) target(%dma_start3A_514 : memref<512x16xf32, #tpu.memory_space<vmem>>) offsets(%dma_start3A_517 : memref<512xi32, #tpu.memory_space<vmem>>) semaphore(%dma_start3A_522 : memref<!tpu.dma_semaphore, #tpu.memory_space<semaphore_mem>>)
    }
    %scan3A_164 = arith.constant 49 : i32
    %dma_wait3A_165 = arith.constant 1 : i32
    %dma_wait3A_166 = arith.constant 1 : i32
    %dma_wait3A_167 = arith.constant 1 : i32
    %dma_wait3A_168 = arith.constant 0 : i32
    %dma_wait3A_169 = arith.constant 0 : i32
    %dma_wait3A_170 = tpu.memref_slice %arg12[%dma_wait3A_166, %dma_wait3A_168, %dma_wait3A_169] : memref<2x512x64xf32, #tpu.memory_space<vmem>> -> memref<1x512x64xf32, #tpu.memory_space<vmem>>
    %dma_wait3A_171 = tpu.memref_squeeze %dma_wait3A_170 : memref<1x512x64xf32, #tpu.memory_space<vmem>> -> memref<512x64xf32, #tpu.memory_space<vmem>>
    %dma_wait3A_172 = arith.constant 0 : i32
    %dma_wait3A_173 = tpu.memref_slice %arg9[%dma_wait3A_165, %dma_wait3A_172] : memref<2x512xi32, #tpu.memory_space<vmem>> -> memref<1x512xi32, #tpu.memory_space<vmem>>
    %dma_wait3A_174 = tpu.memref_squeeze %dma_wait3A_173 : memref<1x512xi32, #tpu.memory_space<vmem>> -> memref<512xi32, #tpu.memory_space<vmem>>
    %dma_wait3A_175 = arith.constant 0 : i32
    %dma_wait3A_176 = arith.constant 0 : i32
    %dma_wait3A_177 = tpu.memref_slice %arg5[%dma_wait3A_175, %dma_wait3A_176] : memref<100001x64xf32, #tpu.memory_space<hbm>> -> memref<100001x64xf32, #tpu.memory_space<hbm>>
    %dma_wait3A_178 = tpu.memref_slice %arg16[%dma_wait3A_167] : memref<2x!tpu.dma_semaphore, #tpu.memory_space<semaphore_mem>> -> memref<1x!tpu.dma_semaphore, #tpu.memory_space<semaphore_mem>>
    %dma_wait3A_179 = tpu.memref_squeeze %dma_wait3A_178 : memref<1x!tpu.dma_semaphore, #tpu.memory_space<semaphore_mem>> -> memref<!tpu.dma_semaphore, #tpu.memory_space<semaphore_mem>>
    tpu.wait_indirect_dma semaphore(%dma_wait3A_179 : memref<!tpu.dma_semaphore, #tpu.memory_space<semaphore_mem>>) src(%dma_wait3A_177 : memref<100001x64xf32, #tpu.memory_space<hbm>>) dst(%dma_wait3A_171 : memref<512x64xf32, #tpu.memory_space<vmem>>)
    %dma_wait3A_180 = arith.constant 1 : i32
    %dma_wait3A_181 = arith.constant 1 : i32
    %dma_wait3A_182 = arith.constant 1 : i32
    %dma_wait3A_183 = arith.constant 0 : i32
    %dma_wait3A_184 = arith.constant 0 : i32
    %dma_wait3A_185 = tpu.memref_slice %arg13[%dma_wait3A_181, %dma_wait3A_183, %dma_wait3A_184] : memref<2x512x16xf32, #tpu.memory_space<vmem>> -> memref<1x512x16xf32, #tpu.memory_space<vmem>>
    %dma_wait3A_186 = tpu.memref_squeeze %dma_wait3A_185 : memref<1x512x16xf32, #tpu.memory_space<vmem>> -> memref<512x16xf32, #tpu.memory_space<vmem>>
    %dma_wait3A_187 = arith.constant 0 : i32
    %dma_wait3A_188 = tpu.memref_slice %arg10[%dma_wait3A_180, %dma_wait3A_187] : memref<2x512xi32, #tpu.memory_space<vmem>> -> memref<1x512xi32, #tpu.memory_space<vmem>>
    %dma_wait3A_189 = tpu.memref_squeeze %dma_wait3A_188 : memref<1x512xi32, #tpu.memory_space<vmem>> -> memref<512xi32, #tpu.memory_space<vmem>>
    %dma_wait3A_190 = arith.constant 0 : i32
    %dma_wait3A_191 = arith.constant 0 : i32
    %dma_wait3A_192 = tpu.memref_slice %arg6[%dma_wait3A_190, %dma_wait3A_191] : memref<200x16xf32, #tpu.memory_space<hbm>> -> memref<200x16xf32, #tpu.memory_space<hbm>>
    %dma_wait3A_193 = tpu.memref_slice %arg16[%dma_wait3A_182] : memref<2x!tpu.dma_semaphore, #tpu.memory_space<semaphore_mem>> -> memref<1x!tpu.dma_semaphore, #tpu.memory_space<semaphore_mem>>
    %dma_wait3A_194 = tpu.memref_squeeze %dma_wait3A_193 : memref<1x!tpu.dma_semaphore, #tpu.memory_space<semaphore_mem>> -> memref<!tpu.dma_semaphore, #tpu.memory_space<semaphore_mem>>
    tpu.wait_indirect_dma semaphore(%dma_wait3A_194 : memref<!tpu.dma_semaphore, #tpu.memory_space<semaphore_mem>>) src(%dma_wait3A_192 : memref<200x16xf32, #tpu.memory_space<hbm>>) dst(%dma_wait3A_186 : memref<512x16xf32, #tpu.memory_space<vmem>>)
    %dma_wait3A_195 = arith.constant 1 : i32
    %dma_wait3A_196 = arith.constant 1 : i32
    %dma_wait3A_197 = arith.constant 1 : i32
    %dma_wait3A_198 = arith.constant 0 : i32
    %dma_wait3A_199 = arith.constant 0 : i32
    %dma_wait3A_200 = tpu.memref_slice %arg14[%dma_wait3A_196, %dma_wait3A_198, %dma_wait3A_199] : memref<2x512x16xf32, #tpu.memory_space<vmem>> -> memref<1x512x16xf32, #tpu.memory_space<vmem>>
    %dma_wait3A_201 = tpu.memref_squeeze %dma_wait3A_200 : memref<1x512x16xf32, #tpu.memory_space<vmem>> -> memref<512x16xf32, #tpu.memory_space<vmem>>
    %dma_wait3A_202 = arith.constant 0 : i32
    %dma_wait3A_203 = tpu.memref_slice %arg11[%dma_wait3A_195, %dma_wait3A_202] : memref<2x512xi32, #tpu.memory_space<vmem>> -> memref<1x512xi32, #tpu.memory_space<vmem>>
    %dma_wait3A_204 = tpu.memref_squeeze %dma_wait3A_203 : memref<1x512xi32, #tpu.memory_space<vmem>> -> memref<512xi32, #tpu.memory_space<vmem>>
    %dma_wait3A_205 = arith.constant 0 : i32
    %dma_wait3A_206 = arith.constant 0 : i32
    %dma_wait3A_207 = tpu.memref_slice %arg7[%dma_wait3A_205, %dma_wait3A_206] : memref<200x16xf32, #tpu.memory_space<hbm>> -> memref<200x16xf32, #tpu.memory_space<hbm>>
    %dma_wait3A_208 = tpu.memref_slice %arg16[%dma_wait3A_197] : memref<2x!tpu.dma_semaphore, #tpu.memory_space<semaphore_mem>> -> memref<1x!tpu.dma_semaphore, #tpu.memory_space<semaphore_mem>>
    %dma_wait3A_209 = tpu.memref_squeeze %dma_wait3A_208 : memref<1x!tpu.dma_semaphore, #tpu.memory_space<semaphore_mem>> -> memref<!tpu.dma_semaphore, #tpu.memory_space<semaphore_mem>>
    tpu.wait_indirect_dma semaphore(%dma_wait3A_209 : memref<!tpu.dma_semaphore, #tpu.memory_space<semaphore_mem>>) src(%dma_wait3A_207 : memref<200x16xf32, #tpu.memory_space<hbm>>) dst(%dma_wait3A_201 : memref<512x16xf32, #tpu.memory_space<vmem>>)
    %add3A_210 = arith.constant 25088 : i32
    %add3A_211 = arith.addi %mul3A_2, %add3A_210 : i32
    %dma_start3A_212 = arith.constant 1 : i32
    %dma_start3A_213 = arith.constant 1 : i32
    %dma_start3A_214 = arith.constant 0 : i32
    %dma_start3A_215 = arith.constant 0 : i32
    %dma_start3A_216 = tpu.memref_slice %arg12[%dma_start3A_212, %dma_start3A_214, %dma_start3A_215] : memref<2x512x64xf32, #tpu.memory_space<vmem>> -> memref<1x512x64xf32, #tpu.memory_space<vmem>>
    %dma_start3A_217 = tpu.memref_squeeze %dma_start3A_216 : memref<1x512x64xf32, #tpu.memory_space<vmem>> -> memref<512x64xf32, #tpu.memory_space<vmem>>
    %dma_start3A_218 = arith.constant 0 : i32
    %dma_start3A_219 = tpu.memref_slice %arg8[%add3A_211, %dma_start3A_218] : memref<819200x96xf32, #tpu.memory_space<hbm>> -> memref<512x64xf32, #tpu.memory_space<hbm>>
    %dma_start3A_220 = tpu.memref_slice %arg17[%dma_start3A_213] : memref<2x!tpu.dma_semaphore, #tpu.memory_space<semaphore_mem>> -> memref<1x!tpu.dma_semaphore, #tpu.memory_space<semaphore_mem>>
    %dma_start3A_221 = tpu.memref_squeeze %dma_start3A_220 : memref<1x!tpu.dma_semaphore, #tpu.memory_space<semaphore_mem>> -> memref<!tpu.dma_semaphore, #tpu.memory_space<semaphore_mem>>
    %dma_start3A_222 = arith.constant 0 : i32
    %dma_start3A_223 = tpu.memref_slice %arg8[%add3A_211, %dma_start3A_222] : memref<819200x96xf32, #tpu.memory_space<hbm>> -> memref<512x64xf32, #tpu.memory_space<hbm>>
    %dma_start3A_224 = arith.constant 0 : i32
    %dma_start3A_225 = arith.constant 0 : i32
    %dma_start3A_226 = tpu.memref_slice %arg12[%dma_start3A_212, %dma_start3A_224, %dma_start3A_225] : memref<2x512x64xf32, #tpu.memory_space<vmem>> -> memref<1x512x64xf32, #tpu.memory_space<vmem>>
    %dma_start3A_227 = tpu.memref_squeeze %dma_start3A_226 : memref<1x512x64xf32, #tpu.memory_space<vmem>> -> memref<512x64xf32, #tpu.memory_space<vmem>>
    tpu.enqueue_dma source(%dma_start3A_227 : memref<512x64xf32, #tpu.memory_space<vmem>>) target(%dma_start3A_223 : memref<512x64xf32, #tpu.memory_space<hbm>>) target_semaphore(%dma_start3A_221 : memref<!tpu.dma_semaphore, #tpu.memory_space<semaphore_mem>>)
    %dma_start3A_228 = arith.constant 1 : i32
    %dma_start3A_229 = arith.constant 1 : i32
    %dma_start3A_230 = arith.constant 0 : i32
    %dma_start3A_231 = arith.constant 0 : i32
    %dma_start3A_232 = tpu.memref_slice %arg13[%dma_start3A_228, %dma_start3A_230, %dma_start3A_231] : memref<2x512x16xf32, #tpu.memory_space<vmem>> -> memref<1x512x16xf32, #tpu.memory_space<vmem>>
    %dma_start3A_233 = tpu.memref_squeeze %dma_start3A_232 : memref<1x512x16xf32, #tpu.memory_space<vmem>> -> memref<512x16xf32, #tpu.memory_space<vmem>>
    %dma_start3A_234 = arith.constant 64 : i32
    %dma_start3A_235 = tpu.memref_slice %arg8[%add3A_211, %dma_start3A_234] : memref<819200x96xf32, #tpu.memory_space<hbm>> -> memref<512x16xf32, #tpu.memory_space<hbm>>
    %dma_start3A_236 = tpu.memref_slice %arg17[%dma_start3A_229] : memref<2x!tpu.dma_semaphore, #tpu.memory_space<semaphore_mem>> -> memref<1x!tpu.dma_semaphore, #tpu.memory_space<semaphore_mem>>
    %dma_start3A_237 = tpu.memref_squeeze %dma_start3A_236 : memref<1x!tpu.dma_semaphore, #tpu.memory_space<semaphore_mem>> -> memref<!tpu.dma_semaphore, #tpu.memory_space<semaphore_mem>>
    %dma_start3A_238 = arith.constant 64 : i32
    %dma_start3A_239 = tpu.memref_slice %arg8[%add3A_211, %dma_start3A_238] : memref<819200x96xf32, #tpu.memory_space<hbm>> -> memref<512x16xf32, #tpu.memory_space<hbm>>
    %dma_start3A_240 = arith.constant 0 : i32
    %dma_start3A_241 = arith.constant 0 : i32
    %dma_start3A_242 = tpu.memref_slice %arg13[%dma_start3A_228, %dma_start3A_240, %dma_start3A_241] : memref<2x512x16xf32, #tpu.memory_space<vmem>> -> memref<1x512x16xf32, #tpu.memory_space<vmem>>
    %dma_start3A_243 = tpu.memref_squeeze %dma_start3A_242 : memref<1x512x16xf32, #tpu.memory_space<vmem>> -> memref<512x16xf32, #tpu.memory_space<vmem>>
    tpu.enqueue_dma source(%dma_start3A_243 : memref<512x16xf32, #tpu.memory_space<vmem>>) target(%dma_start3A_239 : memref<512x16xf32, #tpu.memory_space<hbm>>) target_semaphore(%dma_start3A_237 : memref<!tpu.dma_semaphore, #tpu.memory_space<semaphore_mem>>)
    %dma_start3A_244 = arith.constant 1 : i32
    %dma_start3A_245 = arith.constant 1 : i32
    %dma_start3A_246 = arith.constant 0 : i32
    %dma_start3A_247 = arith.constant 0 : i32
    %dma_start3A_248 = tpu.memref_slice %arg14[%dma_start3A_244, %dma_start3A_246, %dma_start3A_247] : memref<2x512x16xf32, #tpu.memory_space<vmem>> -> memref<1x512x16xf32, #tpu.memory_space<vmem>>
    %dma_start3A_249 = tpu.memref_squeeze %dma_start3A_248 : memref<1x512x16xf32, #tpu.memory_space<vmem>> -> memref<512x16xf32, #tpu.memory_space<vmem>>
    %dma_start3A_250 = arith.constant 80 : i32
    %dma_start3A_251 = tpu.memref_slice %arg8[%add3A_211, %dma_start3A_250] : memref<819200x96xf32, #tpu.memory_space<hbm>> -> memref<512x16xf32, #tpu.memory_space<hbm>>
    %dma_start3A_252 = tpu.memref_slice %arg17[%dma_start3A_245] : memref<2x!tpu.dma_semaphore, #tpu.memory_space<semaphore_mem>> -> memref<1x!tpu.dma_semaphore, #tpu.memory_space<semaphore_mem>>
    %dma_start3A_253 = tpu.memref_squeeze %dma_start3A_252 : memref<1x!tpu.dma_semaphore, #tpu.memory_space<semaphore_mem>> -> memref<!tpu.dma_semaphore, #tpu.memory_space<semaphore_mem>>
    %dma_start3A_254 = arith.constant 80 : i32
    %dma_start3A_255 = tpu.memref_slice %arg8[%add3A_211, %dma_start3A_254] : memref<819200x96xf32, #tpu.memory_space<hbm>> -> memref<512x16xf32, #tpu.memory_space<hbm>>
    %dma_start3A_256 = arith.constant 0 : i32
    %dma_start3A_257 = arith.constant 0 : i32
    %dma_start3A_258 = tpu.memref_slice %arg14[%dma_start3A_244, %dma_start3A_256, %dma_start3A_257] : memref<2x512x16xf32, #tpu.memory_space<vmem>> -> memref<1x512x16xf32, #tpu.memory_space<vmem>>
    %dma_start3A_259 = tpu.memref_squeeze %dma_start3A_258 : memref<1x512x16xf32, #tpu.memory_space<vmem>> -> memref<512x16xf32, #tpu.memory_space<vmem>>
    tpu.enqueue_dma source(%dma_start3A_259 : memref<512x16xf32, #tpu.memory_space<vmem>>) target(%dma_start3A_255 : memref<512x16xf32, #tpu.memory_space<hbm>>) target_semaphore(%dma_start3A_253 : memref<!tpu.dma_semaphore, #tpu.memory_space<semaphore_mem>>)
    %add3A_260 = arith.constant 24576 : i32
    %add3A_261 = arith.addi %mul3A_2, %add3A_260 : i32
    %dma_wait3A_262 = arith.constant 0 : i32
    %dma_wait3A_263 = arith.constant 0 : i32
    %dma_wait3A_264 = arith.constant 0 : i32
    %dma_wait3A_265 = arith.constant 0 : i32
    %dma_wait3A_266 = tpu.memref_slice %arg12[%dma_wait3A_262, %dma_wait3A_264, %dma_wait3A_265] : memref<2x512x64xf32, #tpu.memory_space<vmem>> -> memref<1x512x64xf32, #tpu.memory_space<vmem>>
    %dma_wait3A_267 = tpu.memref_squeeze %dma_wait3A_266 : memref<1x512x64xf32, #tpu.memory_space<vmem>> -> memref<512x64xf32, #tpu.memory_space<vmem>>
    %dma_wait3A_268 = arith.constant 0 : i32
    %dma_wait3A_269 = tpu.memref_slice %arg8[%add3A_261, %dma_wait3A_268] : memref<819200x96xf32, #tpu.memory_space<hbm>> -> memref<512x64xf32, #tpu.memory_space<hbm>>
    %dma_wait3A_270 = tpu.memref_slice %arg17[%dma_wait3A_263] : memref<2x!tpu.dma_semaphore, #tpu.memory_space<semaphore_mem>> -> memref<1x!tpu.dma_semaphore, #tpu.memory_space<semaphore_mem>>
    %dma_wait3A_271 = tpu.memref_squeeze %dma_wait3A_270 : memref<1x!tpu.dma_semaphore, #tpu.memory_space<semaphore_mem>> -> memref<!tpu.dma_semaphore, #tpu.memory_space<semaphore_mem>>
    %dma_wait3A_272 = arith.constant 0 : i32
    %dma_wait3A_273 = tpu.memref_slice %arg8[%add3A_261, %dma_wait3A_272] : memref<819200x96xf32, #tpu.memory_space<hbm>> -> memref<512x64xf32, #tpu.memory_space<hbm>>
    %dma_wait3A_274 = arith.constant 0 : i32
    %dma_wait3A_275 = arith.constant 0 : i32
    %dma_wait3A_276 = tpu.memref_slice %arg12[%dma_wait3A_262, %dma_wait3A_274, %dma_wait3A_275] : memref<2x512x64xf32, #tpu.memory_space<vmem>> -> memref<1x512x64xf32, #tpu.memory_space<vmem>>
    %dma_wait3A_277 = tpu.memref_squeeze %dma_wait3A_276 : memref<1x512x64xf32, #tpu.memory_space<vmem>> -> memref<512x64xf32, #tpu.memory_space<vmem>>
    tpu.wait_dma2 semaphore(%dma_wait3A_271 : memref<!tpu.dma_semaphore, #tpu.memory_space<semaphore_mem>>) src(%dma_wait3A_277 : memref<512x64xf32, #tpu.memory_space<vmem>>) dst(%dma_wait3A_273 : memref<512x64xf32, #tpu.memory_space<hbm>>)
    %dma_wait3A_278 = arith.constant 0 : i32
    %dma_wait3A_279 = arith.constant 0 : i32
    %dma_wait3A_280 = arith.constant 0 : i32
    %dma_wait3A_281 = arith.constant 0 : i32
    %dma_wait3A_282 = tpu.memref_slice %arg13[%dma_wait3A_278, %dma_wait3A_280, %dma_wait3A_281] : memref<2x512x16xf32, #tpu.memory_space<vmem>> -> memref<1x512x16xf32, #tpu.memory_space<vmem>>
    %dma_wait3A_283 = tpu.memref_squeeze %dma_wait3A_282 : memref<1x512x16xf32, #tpu.memory_space<vmem>> -> memref<512x16xf32, #tpu.memory_space<vmem>>
    %dma_wait3A_284 = arith.constant 64 : i32
    %dma_wait3A_285 = tpu.memref_slice %arg8[%add3A_261, %dma_wait3A_284] : memref<819200x96xf32, #tpu.memory_space<hbm>> -> memref<512x16xf32, #tpu.memory_space<hbm>>
    %dma_wait3A_286 = tpu.memref_slice %arg17[%dma_wait3A_279] : memref<2x!tpu.dma_semaphore, #tpu.memory_space<semaphore_mem>> -> memref<1x!tpu.dma_semaphore, #tpu.memory_space<semaphore_mem>>
    %dma_wait3A_287 = tpu.memref_squeeze %dma_wait3A_286 : memref<1x!tpu.dma_semaphore, #tpu.memory_space<semaphore_mem>> -> memref<!tpu.dma_semaphore, #tpu.memory_space<semaphore_mem>>
    %dma_wait3A_288 = arith.constant 64 : i32
    %dma_wait3A_289 = tpu.memref_slice %arg8[%add3A_261, %dma_wait3A_288] : memref<819200x96xf32, #tpu.memory_space<hbm>> -> memref<512x16xf32, #tpu.memory_space<hbm>>
    %dma_wait3A_290 = arith.constant 0 : i32
    %dma_wait3A_291 = arith.constant 0 : i32
    %dma_wait3A_292 = tpu.memref_slice %arg13[%dma_wait3A_278, %dma_wait3A_290, %dma_wait3A_291] : memref<2x512x16xf32, #tpu.memory_space<vmem>> -> memref<1x512x16xf32, #tpu.memory_space<vmem>>
    %dma_wait3A_293 = tpu.memref_squeeze %dma_wait3A_292 : memref<1x512x16xf32, #tpu.memory_space<vmem>> -> memref<512x16xf32, #tpu.memory_space<vmem>>
    tpu.wait_dma2 semaphore(%dma_wait3A_287 : memref<!tpu.dma_semaphore, #tpu.memory_space<semaphore_mem>>) src(%dma_wait3A_293 : memref<512x16xf32, #tpu.memory_space<vmem>>) dst(%dma_wait3A_289 : memref<512x16xf32, #tpu.memory_space<hbm>>)
    %dma_wait3A_294 = arith.constant 0 : i32
    %dma_wait3A_295 = arith.constant 0 : i32
    %dma_wait3A_296 = arith.constant 0 : i32
    %dma_wait3A_297 = arith.constant 0 : i32
    %dma_wait3A_298 = tpu.memref_slice %arg14[%dma_wait3A_294, %dma_wait3A_296, %dma_wait3A_297] : memref<2x512x16xf32, #tpu.memory_space<vmem>> -> memref<1x512x16xf32, #tpu.memory_space<vmem>>
    %dma_wait3A_299 = tpu.memref_squeeze %dma_wait3A_298 : memref<1x512x16xf32, #tpu.memory_space<vmem>> -> memref<512x16xf32, #tpu.memory_space<vmem>>
    %dma_wait3A_300 = arith.constant 80 : i32
    %dma_wait3A_301 = tpu.memref_slice %arg8[%add3A_261, %dma_wait3A_300] : memref<819200x96xf32, #tpu.memory_space<hbm>> -> memref<512x16xf32, #tpu.memory_space<hbm>>
    %dma_wait3A_302 = tpu.memref_slice %arg17[%dma_wait3A_295] : memref<2x!tpu.dma_semaphore, #tpu.memory_space<semaphore_mem>> -> memref<1x!tpu.dma_semaphore, #tpu.memory_space<semaphore_mem>>
    %dma_wait3A_303 = tpu.memref_squeeze %dma_wait3A_302 : memref<1x!tpu.dma_semaphore, #tpu.memory_space<semaphore_mem>> -> memref<!tpu.dma_semaphore, #tpu.memory_space<semaphore_mem>>
    %dma_wait3A_304 = arith.constant 80 : i32
    %dma_wait3A_305 = tpu.memref_slice %arg8[%add3A_261, %dma_wait3A_304] : memref<819200x96xf32, #tpu.memory_space<hbm>> -> memref<512x16xf32, #tpu.memory_space<hbm>>
    %dma_wait3A_306 = arith.constant 0 : i32
    %dma_wait3A_307 = arith.constant 0 : i32
    %dma_wait3A_308 = tpu.memref_slice %arg14[%dma_wait3A_294, %dma_wait3A_306, %dma_wait3A_307] : memref<2x512x16xf32, #tpu.memory_space<vmem>> -> memref<1x512x16xf32, #tpu.memory_space<vmem>>
    %dma_wait3A_309 = tpu.memref_squeeze %dma_wait3A_308 : memref<1x512x16xf32, #tpu.memory_space<vmem>> -> memref<512x16xf32, #tpu.memory_space<vmem>>
    tpu.wait_dma2 semaphore(%dma_wait3A_303 : memref<!tpu.dma_semaphore, #tpu.memory_space<semaphore_mem>>) src(%dma_wait3A_309 : memref<512x16xf32, #tpu.memory_space<vmem>>) dst(%dma_wait3A_305 : memref<512x16xf32, #tpu.memory_space<hbm>>)
    %add3A_310 = arith.constant 25088 : i32
    %add3A_311 = arith.addi %mul3A_2, %add3A_310 : i32
    %dma_wait3A_312 = arith.constant 1 : i32
    %dma_wait3A_313 = arith.constant 1 : i32
    %dma_wait3A_314 = arith.constant 0 : i32
    %dma_wait3A_315 = arith.constant 0 : i32
    %dma_wait3A_316 = tpu.memref_slice %arg12[%dma_wait3A_312, %dma_wait3A_314, %dma_wait3A_315] : memref<2x512x64xf32, #tpu.memory_space<vmem>> -> memref<1x512x64xf32, #tpu.memory_space<vmem>>
    %dma_wait3A_317 = tpu.memref_squeeze %dma_wait3A_316 : memref<1x512x64xf32, #tpu.memory_space<vmem>> -> memref<512x64xf32, #tpu.memory_space<vmem>>
    %dma_wait3A_318 = arith.constant 0 : i32
    %dma_wait3A_319 = tpu.memref_slice %arg8[%add3A_311, %dma_wait3A_318] : memref<819200x96xf32, #tpu.memory_space<hbm>> -> memref<512x64xf32, #tpu.memory_space<hbm>>
    %dma_wait3A_320 = tpu.memref_slice %arg17[%dma_wait3A_313] : memref<2x!tpu.dma_semaphore, #tpu.memory_space<semaphore_mem>> -> memref<1x!tpu.dma_semaphore, #tpu.memory_space<semaphore_mem>>
    %dma_wait3A_321 = tpu.memref_squeeze %dma_wait3A_320 : memref<1x!tpu.dma_semaphore, #tpu.memory_space<semaphore_mem>> -> memref<!tpu.dma_semaphore, #tpu.memory_space<semaphore_mem>>
    %dma_wait3A_322 = arith.constant 0 : i32
    %dma_wait3A_323 = tpu.memref_slice %arg8[%add3A_311, %dma_wait3A_322] : memref<819200x96xf32, #tpu.memory_space<hbm>> -> memref<512x64xf32, #tpu.memory_space<hbm>>
    %dma_wait3A_324 = arith.constant 0 : i32
    %dma_wait3A_325 = arith.constant 0 : i32
    %dma_wait3A_326 = tpu.memref_slice %arg12[%dma_wait3A_312, %dma_wait3A_324, %dma_wait3A_325] : memref<2x512x64xf32, #tpu.memory_space<vmem>> -> memref<1x512x64xf32, #tpu.memory_space<vmem>>
    %dma_wait3A_327 = tpu.memref_squeeze %dma_wait3A_326 : memref<1x512x64xf32, #tpu.memory_space<vmem>> -> memref<512x64xf32, #tpu.memory_space<vmem>>
    tpu.wait_dma2 semaphore(%dma_wait3A_321 : memref<!tpu.dma_semaphore, #tpu.memory_space<semaphore_mem>>) src(%dma_wait3A_327 : memref<512x64xf32, #tpu.memory_space<vmem>>) dst(%dma_wait3A_323 : memref<512x64xf32, #tpu.memory_space<hbm>>)
    %dma_wait3A_328 = arith.constant 1 : i32
    %dma_wait3A_329 = arith.constant 1 : i32
    %dma_wait3A_330 = arith.constant 0 : i32
    %dma_wait3A_331 = arith.constant 0 : i32
    %dma_wait3A_332 = tpu.memref_slice %arg13[%dma_wait3A_328, %dma_wait3A_330, %dma_wait3A_331] : memref<2x512x16xf32, #tpu.memory_space<vmem>> -> memref<1x512x16xf32, #tpu.memory_space<vmem>>
    %dma_wait3A_333 = tpu.memref_squeeze %dma_wait3A_332 : memref<1x512x16xf32, #tpu.memory_space<vmem>> -> memref<512x16xf32, #tpu.memory_space<vmem>>
    %dma_wait3A_334 = arith.constant 64 : i32
    %dma_wait3A_335 = tpu.memref_slice %arg8[%add3A_311, %dma_wait3A_334] : memref<819200x96xf32, #tpu.memory_space<hbm>> -> memref<512x16xf32, #tpu.memory_space<hbm>>
    %dma_wait3A_336 = tpu.memref_slice %arg17[%dma_wait3A_329] : memref<2x!tpu.dma_semaphore, #tpu.memory_space<semaphore_mem>> -> memref<1x!tpu.dma_semaphore, #tpu.memory_space<semaphore_mem>>
    %dma_wait3A_337 = tpu.memref_squeeze %dma_wait3A_336 : memref<1x!tpu.dma_semaphore, #tpu.memory_space<semaphore_mem>> -> memref<!tpu.dma_semaphore, #tpu.memory_space<semaphore_mem>>
    %dma_wait3A_338 = arith.constant 64 : i32
    %dma_wait3A_339 = tpu.memref_slice %arg8[%add3A_311, %dma_wait3A_338] : memref<819200x96xf32, #tpu.memory_space<hbm>> -> memref<512x16xf32, #tpu.memory_space<hbm>>
    %dma_wait3A_340 = arith.constant 0 : i32
    %dma_wait3A_341 = arith.constant 0 : i32
    %dma_wait3A_342 = tpu.memref_slice %arg13[%dma_wait3A_328, %dma_wait3A_340, %dma_wait3A_341] : memref<2x512x16xf32, #tpu.memory_space<vmem>> -> memref<1x512x16xf32, #tpu.memory_space<vmem>>
    %dma_wait3A_343 = tpu.memref_squeeze %dma_wait3A_342 : memref<1x512x16xf32, #tpu.memory_space<vmem>> -> memref<512x16xf32, #tpu.memory_space<vmem>>
    tpu.wait_dma2 semaphore(%dma_wait3A_337 : memref<!tpu.dma_semaphore, #tpu.memory_space<semaphore_mem>>) src(%dma_wait3A_343 : memref<512x16xf32, #tpu.memory_space<vmem>>) dst(%dma_wait3A_339 : memref<512x16xf32, #tpu.memory_space<hbm>>)
    %dma_wait3A_344 = arith.constant 1 : i32
    %dma_wait3A_345 = arith.constant 1 : i32
    %dma_wait3A_346 = arith.constant 0 : i32
    %dma_wait3A_347 = arith.constant 0 : i32
    %dma_wait3A_348 = tpu.memref_slice %arg14[%dma_wait3A_344, %dma_wait3A_346, %dma_wait3A_347] : memref<2x512x16xf32, #tpu.memory_space<vmem>> -> memref<1x512x16xf32, #tpu.memory_space<vmem>>
    %dma_wait3A_349 = tpu.memref_squeeze %dma_wait3A_348 : memref<1x512x16xf32, #tpu.memory_space<vmem>> -> memref<512x16xf32, #tpu.memory_space<vmem>>
    %dma_wait3A_350 = arith.constant 80 : i32
    %dma_wait3A_351 = tpu.memref_slice %arg8[%add3A_311, %dma_wait3A_350] : memref<819200x96xf32, #tpu.memory_space<hbm>> -> memref<512x16xf32, #tpu.memory_space<hbm>>
    %dma_wait3A_352 = tpu.memref_slice %arg17[%dma_wait3A_345] : memref<2x!tpu.dma_semaphore, #tpu.memory_space<semaphore_mem>> -> memref<1x!tpu.dma_semaphore, #tpu.memory_space<semaphore_mem>>
    %dma_wait3A_353 = tpu.memref_squeeze %dma_wait3A_352 : memref<1x!tpu.dma_semaphore, #tpu.memory_space<semaphore_mem>> -> memref<!tpu.dma_semaphore, #tpu.memory_space<semaphore_mem>>
    %dma_wait3A_354 = arith.constant 80 : i32
    %dma_wait3A_355 = tpu.memref_slice %arg8[%add3A_311, %dma_wait3A_354] : memref<819200x96xf32, #tpu.memory_space<hbm>> -> memref<512x16xf32, #tpu.memory_space<hbm>>
    %dma_wait3A_356 = arith.constant 0 : i32
    %dma_wait3A_357 = arith.constant 0 : i32
    %dma_wait3A_358 = tpu.memref_slice %arg14[%dma_wait3A_344, %dma_wait3A_356, %dma_wait3A_357] : memref<2x512x16xf32, #tpu.memory_space<vmem>> -> memref<1x512x16xf32, #tpu.memory_space<vmem>>
    %dma_wait3A_359 = tpu.memref_squeeze %dma_wait3A_358 : memref<1x512x16xf32, #tpu.memory_space<vmem>> -> memref<512x16xf32, #tpu.memory_space<vmem>>
    tpu.wait_dma2 semaphore(%dma_wait3A_353 : memref<!tpu.dma_semaphore, #tpu.memory_space<semaphore_mem>>) src(%dma_wait3A_359 : memref<512x16xf32, #tpu.memory_space<vmem>>) dst(%dma_wait3A_355 : memref<512x16xf32, #tpu.memory_space<hbm>>)
    return
  }
}

</mosaic_0001>

<sc_bundles>
// kernel: _run.3.cloned.1.call-start
scs
__scs_entry_jumppad:
0x0: {  	(pc) =	sbr.rel $0x88, $3  }
0x1: {  	(tag) =	ssettag $0x0;
	lr =	simm.s32 $0x1  }
0x2: {  	[smem:$0x3F9B] =	sst lr;
	_ =	strace $0xD0000000  }
0x3: {  	_ = 	snop  }
0x4: {  	_ = 	snop  }
0x5: {  	_ = 	snop  }
0x6: {  	_ = 	snop  }
0x7: {  	_ = 	snop  }
__scs_overlays_trampoline_lowered:
0x8: {  	[smem:$0x3FAA] =	sst s0  }
0x9: {  	[smem:$0x3FAB] =	sst s1  }
0xa: {  	[smem:$0x3FAC] =	sst s2  }
0xb: {  	[smem:$0x3FAD] =	sst s3  }
0xc: {  	[smem:$0x3FAE] =	sst s4  }
0xd: {  	[smem:$0x3FAF] =	sst s5  }
0xe: {  	[smem:$0x3FB0] =	sst s6  }
0xf: {  	[smem:$0x3FB1] =	sst s7  }
0x10: {  	[smem:$0x3FB2] =	sst s8  }
0x11: {  	[smem:$0x3FB3] =	sst s9;
	s0 =	simm.s32 @!p0 $0x0  }
0x12: {  	s1 =	sld [smem:$0x3F99];
	s0 =	simm.s32 @p0 $0x1  }
0x13: {  	[smem:$0x3FB4] =	sst s0;
	s0 =	simm.s32 @!p1 $0x0  }
0x14: {  	s2 =	sld [smem:$0x3F98];
	s0 =	simm.s32 @p1 $0x1  }
0x15: {  	[smem:$0x3FB5] =	sst s0;
	s0 =	simm.s32 @!p2 $0x0  }
0x16: {  	s3 =	sld [smem:$0x3FDB];
	s0 =	simm.s32 @p2 $0x1  }
0x17: {  	s4 =	simm.s32 $0x1BF5;
	[smem:$0x3FB7] =	sst s0  }
0x18: {  	s0 =	sld [smem:$0x3F9A];
	_ =	swait.ge [sflag:s4], $0x0  }
0x19: {  	s7 =	sld [smem:$0x3F9B]  }
0x1a: {  	s8 =	sadd.s32 $0xFFFFE003, lr  }
0x1b: {  	s9 =	sadd.s32 $0xFFFFFEF7, lr;
	s5 =	simm.s32 $0xFFFFFFFF;
	p2 =	slt.u32 s8, $0xFFFFF086  }
0x1c: {  	p1 =	slt.u32 s9, $0xF7A;
	s5 =	simm.s32 @!p2 $0x0  }
0x1d: {  	s5 =	simm.s32 @p1 $0x1;
	p0 =	seq.s32 s7, s2  }
0x1e: {  	s7 =	smul.u32 @!p0 $0xF7A, s2;
	p2 =	seq.s32 @!p0 s5, $0x0  }
0x1f: {  	s9 =	smul.u32 $0xF7A, s1;
	s8 =	simm.s32 @!p0 $0x1BF5;
	p2 =	por !p2, p0  }
0x20: {  	[sflag:s8] =	ssyncset.s32 @!p0 $0xFFFFF086;
	s6 =	sadd.s32 @!p0 s3, s7;
	s7 =	simm.s32 @!p0 $0x108  }
0x21: {  	s3 =	sadd.s32 s3, s9;
	s6 =	sadd.s32 @!p0 $0x88, s6;
	s7 =	simm.s32 @p2 $0x1082  }
0x22: {  	[simem:s7], [sflag:s8] =	dma.local @!p0 [hbm:s6], $0xF7A  }
0x23: {  	s9 =	sor.u32 $0xD0000000, s2;
	s6 =	simm.s32 $0x108;
	_ =	swait.ge @!p0 [sflag:s8], $0x0  }
0x24: {  	s3 =	sadd.s32 $0x88, s3;
	s6 =	simm.s32 @!p1 $0x1082;
	[sflag:s4] =	ssyncset.s32 $0xFFFFF086  }
0x25: {  	[simem:s6], [sflag:s4] =	dma.local [hbm:s3], $0xF7A  }
0x26: {  	[smem:$0x3F9B] =	sst s1;
	(tag) =	ssettag s2;
	_ =	strace s9  }
0x27: {  	s1 =	sld [smem:$0x3FAB]  }
0x28: {  	s2 =	sld [smem:$0x3FAC]  }
0x29: {  	s4 =	sld [smem:$0x3FAE]  }
0x2a: {  	p0 =	seq.s32 s5, $0x0;
	s5 =	sld [smem:$0x3FAF]  }
0x2b: {  	s6 =	sld [smem:$0x3FB0]  }
0x2c: {  	s7 =	sld [smem:$0x3FB1]  }
0x2d: {  	s3 =	simm.s32 $0x108;
	s8 =	sld [smem:$0x3FB2]  }
0x2e: {  	s3 =	simm.s32 @!p0 $0x1082;
	s9 =	sld [smem:$0x3FB3]  }
0x2f: {  	lr =	sadd.s32 s0, s3;
	s0 =	sld [smem:$0x3FAA]  }
0x30: {  	s3 =	sld [smem:$0x3FAD]  }
0x31: {  	[smem:$0x3FB6] =	sst s10  }
0x32: {  	s10 =	sld [smem:$0x3FB4];
	_ =	sdelay $0x3  }
0x33: {  	p0 =	seq.s32 s10, $0x1;
	s10 =	sld [smem:$0x3FB6];
	_ =	sdelay $0x3  }
0x34: {  	[smem:$0x3FB6] =	sst s10  }
0x35: {  	s10 =	sld [smem:$0x3FB5];
	_ =	sdelay $0x3  }
0x36: {  	p1 =	seq.s32 s10, $0x1;
	s10 =	sld [smem:$0x3FB6];
	_ =	sdelay $0x3  }
0x37: {  	[smem:$0x3FB6] =	sst s10  }
0x38: {  	s10 =	sld [smem:$0x3FB7]  }
0x39: {  	_ = 	snop;
	(pc) =	sbr.ind lr, $3  }
0x3a: {  	_ = 	snop  }
0x3b: {  	_ = 	snop  }
0x3c: {  	p2 =	seq.s32 s10, $0x1;
	s10 =	sld [smem:$0x3FB6]  }
0x3d: {  	_ =	shalt  }
0x3e: {  	_ =	shalt  }
0x3f: {  	_ =	shalt  }
0x40: {  	_ =	shalt  }
0x41: {  	_ =	shalt  }
0x42: {  	_ =	shalt  }
0x43: {  	_ =	shalt  }
0x44: {  	_ =	shalt  }
0x45: {  	_ =	shalt  }
0x46: {  	_ =	shalt  }
0x47: {  	_ =	shalt  }
0x48: {  	_ =	shalt  }
0x49: {  	_ =	shalt  }
0x4a: {  	_ =	shalt  }
0x4b: {  	_ =	shalt  }
0x4c: {  	_ =	shalt  }
0x4d: {  	_ =	shalt  }
0x4e: {  	_ =	shalt  }
0x4f: {  	_ =	shalt  }
0x50: {  	_ =	shalt  }
0x51: {  	_ =	shalt  }
0x52: {  	_ =	shalt  }
0x53: {  	_ =	shalt  }
0x54: {  	_ =	shalt  }
0x55: {  	_ =	shalt  }
0x56: {  	_ =	shalt  }
0x57: {  	_ =	shalt  }
0x58: {  	_ =	shalt  }
0x59: {  	_ =	shalt  }
0x5a: {  	_ =	shalt  }
0x5b: {  	_ =	shalt  }
0x5c: {  	_ =	shalt  }
0x5d: {  	_ =	shalt  }
0x5e: {  	_ =	shalt  }
0x5f: {  	_ =	shalt  }
0x60: {  	_ =	shalt  }
0x61: {  	_ =	shalt  }
0x62: {  	_ =	shalt  }
0x63: {  	_ =	shalt  }
0x64: {  	_ =	shalt  }
0x65: {  	_ =	shalt  }
0x66: {  	_ =	shalt  }
0x67: {  	_ =	shalt  }
0x68: {  	_ =	shalt  }
0x69: {  	_ =	shalt  }
0x6a: {  	_ =	shalt  }
0x6b: {  	_ =	shalt  }
0x6c: {  	_ =	shalt  }
0x6d: {  	_ =	shalt  }
0x6e: {  	_ =	shalt  }
0x6f: {  	_ =	shalt  }
0x70: {  	_ =	shalt  }
0x71: {  	_ =	shalt  }
0x72: {  	_ =	shalt  }
0x73: {  	_ =	shalt  }
0x74: {  	_ =	shalt  }
0x75: {  	_ =	shalt  }
0x76: {  	_ =	shalt  }
0x77: {  	_ =	shalt  }
0x78: {  	_ =	shalt  }
0x79: {  	_ =	shalt  }
0x7a: {  	_ =	shalt  }
0x7b: {  	_ =	shalt  }
0x7c: {  	_ =	shalt  }
0x7d: {  	_ =	shalt  }
0x7e: {  	_ =	shalt  }
0x7f: {  	_ =	shalt  }
0x80: {  	_ =	shalt  }
0x81: {  	_ =	shalt  }
0x82: {  	_ =	shalt  }
0x83: {  	_ =	shalt  }
0x84: {  	_ =	shalt  }
0x85: {  	_ =	shalt  }
0x86: {  	_ =	shalt  }
0x87: {  	_ =	shalt  }
.Lfunc_end0:
.L_simem_size_0:
called_computation.1_lowered:
.L_overlay_start_0:
0x88: {  	s2 =	sld [smem:$0x3FD9]  }
0x89: {  	s3 =	sld [smem:$0x3FFE];
	_ =	sdelay $0x1  }
0x8a: {  	s1 =	srdreg.scid  }
0x8b: {  	s0 =	sand.u32 $0x1, s1  }
0x8c: {  	s17 =	sshll.u32 s0, $0xA;
	s2 =	sadd.s32 s3, s2  }
0x8d: {  	s2 =	sadd.s32 s2, s17  }
0x8e: {  	[smem:$0x3FC2] =	sst s2  }
0x8f: {  	_ = 	snop  }
0x90: {  	s2 =	sld [smem:$0x3FC9]  }
0x91: {  	s18 =	sld [smem:$0x3FC8]  }
0x92: {  	s4 =	sld [smem:$0x3FC7]  }
0x93: {  	s5 =	sld [smem:$0x3FD0];
	(tm) =	ssettm $0x1  }
0x94: {  	s6 =	sld [smem:$0x3FFB];
	_ =	sdelay $0x3  }
0x95: {  	_ =	strace s6  }
0x96: {  	s6 =	sld [smem:$0x3FFC];
	_ =	sdelay $0x3  }
0x97: {  	_ =	strace s6  }
0x98: {  	s6 =	sld [smem:$0x3FFD];
	_ =	sdelay $0x3  }
0x99: {  	_ =	strace s6  }
0x9a: {  	_ =	strace $0x8FFFFFFF  }
0x9b: {  	s19 =	sld [smem:$0x3FDB];
	_ =	sdelay $0x1  }
0x9c: {  	s7 =	simm.s32 $_scs_section_size  }
0x9d: {  	s8 =	simm.s32 $_size__tile_overlayer_lowered;
	s9 =	simm.s32 $_tile_overlayer_lowered  }
0x9e: {  	s22 =	simm.s32 $0x1BFF;
	s21 =	sshll.u32 s9, $0x1;
	s6 =	sadd.s32 s7, s19  }
0x9f: {  	s10 =	simm.s32 $0x0;
	s20 =	sshll.u32 s8, $0x1;
	s8 =	sadd.s32 s21, s6  }
0xa0: {  	[timem:s10], [sflag:s22] =	dma.local [hbm:s8], s20  }
0xa1: {  	_ =	swait.ge [sflag:s22], s20  }
0xa2: {  	s7 =	ssub.s32 $0x0, s20;
	[sflag:s22] =	ssyncset.done $0x0  }
0xa3: {  	[sflag:s22] =	ssyncadd.s32 s7;
	_ =	sdelay $0x1  }
0xa4: {  	s23 =	simm.s32 $0x1B8B  }
0xa5: {  	_ =	swait.ge [sflag:s23], $0x1  }
0xa6: {  	[sflag:s23] =	ssyncset.done $0x0  }
0xa7: {  	s25 =	simm.s32 $0x1B8E;
	s24 =	sld [smem:$0x3FFE];
	[sflag:s23] =	ssyncadd.s32 $0xFFFFFFFF  }
0xa8: {  	s26 =	simm.s32 $execute0_lowered;
	[smem:$0x3FD2] =	sst s25  }
0xa9: {  	s8 =	sshll.u32 s26, $0x1;
	_ =	strace $0x80000046;
	[dreg:$0x1] =	wrdreg $0xFFFFFFFF  }
0xaa: {  	s28 =	simm.s32 $_size_execute0_lowered;
	s6 =	sadd.s32 s6, s8;
	[dreg:$0x0] =	wrdreg $0x0  }
0xab: {  	s8 =	sshll.u32 s28, $0x1;
	[dreg:$0x2] =	wrdreg s6  }
0xac: {  	[dreg:$0x3] =	wrdreg s8  }
0xad: {  	[dreg:$0x4] =	wrdreg $0xC0  }
0xae: {  	_ =	task [dreg:s10], $0x5FFFF  }
0xaf: {  	[dreg:$0x1] =	wrdreg $0xFFFFFFFF  }
0xb0: {  	[dreg:$0x0] =	wrdreg $0x60  }
0xb1: {  	[dreg:$0x2] =	wrdreg s2  }
0xb2: {  	[dreg:$0x3] =	wrdreg s18  }
0xb3: {  	[dreg:$0x4] =	wrdreg s4  }
0xb4: {  	[dreg:$0x5] =	wrdreg s24  }
0xb5: {  	[dreg:$0x6] =	wrdreg s5  }
0xb6: {  	[dreg:$0x7] =	wrdreg $0x9  }
0xb7: {  	_ =	task.clear_ibuf [dreg:s10], $0x8FFFF;
	_ =	strace $0x90000046  }
0xb8: {  	s29 =	simm.s32 $0x9;
	_ =	strace $0x80000048  }
0xb9: {  	_ =	swait.ge [sflag:s29], $0x1  }
0xba: {  	[sflag:s29] =	ssyncadd.s32 $0xFFFFFFFF  }
0xbb: {  	_ =	strace $0x90000048  }
0xbc: {  	_ =	sfence  }
0xbd: {  	s30 =	sld [smem:$0x0];
	_ =	sdelay $0x2  }
0xbe: {  	s31 =	sshll.u32 s1, $0xD;
	s1 =	sshrl.u32 s1, $0x2  }
0xbf: {  	s3 =	sand.u32 $0x4000, s31;
	s1 =	sadd.s32 s1, s30  }
0xc0: {  	s0 =	sor.u32 s3, s0;
	s1 =	sshll.u32 s1, $0x11  }
0xc1: {  	s0 =	sor.u32 s1, s0  }
0xc2: {  	s0 =	sadd.s32 $0x8F2B, s0  }
0xc3: {  	[sflag:s0] =	ssyncadd.remote.s32 $0x1  }
0xc4: {  	_ =	sfence.sel $0xFFFF  }
0xc5: {  	[dreg:$0x0] =	wrdreg $0xFFFFFFFF;
	(pc) =	sbr.abs _section_cstart, $3  }
0xc6: {  	[dreg:$0x1] =	wrdreg $0xFFFFFFFF  }
0xc7: {  	_ =	task.clear_ibuf [dreg:s10], $0x2FFFF;
	_ =	strace $0x9FFFFFFF  }
0xc8: {  	(tm) =	ssettm $0x7FFFFFFF  }
0xc9: {  	_ =	shalt  }
tec
execute0_lowered:
.L_overlay_start_1:
0x0: {  	(tag) =	ssettag $0x1  }
0x1: {  	s0 =	rddreg [dreg:$0x0]  }
0x2: {  	s1 =	rddreg [dreg:$0x1]  }
0x3: {  	s6 =	rddreg [dreg:$0x2]  }
0x4: {  	s5 =	rddreg [dreg:$0x3]  }
0x5: {  	s7 =	rddreg [dreg:$0x4]  }
0x6: {  	s2 =	simm.s32 $0x0;
	s3 =	srdreg.scid;
	s14 =	stileid.u32  }
0x7: {  	s28 =	simm.s32 $0x40;
	s29 =	simm.s32 $0x60;
	s30 =	simm.s32 $0x10  }
0x8: {  	s31 =	simm.s32 $0x4;
	[smem:$0x7FF] =	sst s2;
	s19 =	smul.u32 $0x4B0000, s14  }
0x9: {  	s8 =	sand.u32 $0x1, s3;
	s16 =	sshll.u32 s14, $0x1;
	s14 =	smul.u32 $0xC800, s14  }
0xa: {  	s3 =	sadd.s32 $0xC00, s5;
	s4 =	sadd.s32 $0x800, s5;
	s20 =	smul.u32 $0x258000, s8  }
0xb: {  	s9 =	sor.u32 s8, s16;
	s10 =	ssub.s32 $0x2, s8;
	s8 =	smul.u32 $0x6400, s8  }
0xc: {  	s5 =	sadd.s32 $0xA00, s5;
	s11 =	smul.u32 $0x6400, s9;
	s12 =	sshrl.u32 s10, $0x1  }
0xd: {  	_ =	strace $0x80000047;
	s9 =	smul.u32 $0x258000, s9;
	s10 =	ssub.s32 s10, s12  }
0xe: {  	s23 =	sadd.s32 s20, s19;
	s11 =	sshrl.u32 s11, $0x3;
	s25 =	smax.u32 s10, $0x1  }
0xf: {  	s8 =	sadd.s32 s8, s14;
	s17 =	sadd.s32 s0, s11;
	[dreg:$0x10] =	wrdreg s25  }
0x10: {  	s9 =	sshrl.u32 s9, $0x3;
	s18 =	sadd.s32 s1, s11;
	[dreg:$0x7] =	wrdreg s17  }
0x11: {  	s13 =	sadd.s32 s6, s11;
	s11 =	sor.u32 $0x40, s11;
	[dreg:$0x8] =	wrdreg s18  }
0x12: {  	s8 =	sadd.s32 $0x400, s8;
	[dreg:$0x9] =	wrdreg s13;
	s15 =	sadd.s32 s0, s11  }
0x13: {  	s9 =	sadd.s32 s7, s9;
	s21 =	sadd.s32 s1, s11;
	[dreg:$0xa] =	wrdreg s15  }
0x14: {  	s26 =	sshrl.u32 s8, $0x3;
	s11 =	sadd.s32 s6, s11;
	[dreg:$0xb] =	wrdreg s21  }
0x15: {  	s25 =	simm.s32 $0x0;
	s22 =	sadd.s32 $0x49800, s9;
	[dreg:$0xc] =	wrdreg s11  }
0x16: {  	s24 =	sadd.s32 $0x49808, s9;
	s9 =	sadd.s32 $0x4980A, s9;
	[dreg:$0xd] =	wrdreg s22  }
0x17: {  	s6 =	sadd.s32 s26, s6;
	s17 =	sadd.s32 s26, s1;
	[dreg:$0xe] =	wrdreg s24  }
0x18: {  	s18 =	sadd.s32 s26, s0;
	s11 =	sshrl.u32 s23, $0x3;
	[dreg:$0xf] =	wrdreg s9  }
0x19: {  	[dreg:$0x11] =	wrdreg s6;
	s21 =	simm.s32 $0x200;
	s7 =	sadd.s32 s11, s7  }
0x1a: {  	s23 =	simm.s32 $0x5;
	s24 =	simm.s32 $0x6;
	[dreg:$0x6] =	wrdreg s7  }
.LBB2_1:
0x1b: {  	s0 =	rddreg [dreg:$0x7]  }
0x1c: {  	[tilespmem:s2], [sflag:$0x1] =	stream.linear.gather [hbm4b:s0+s2], $0x200, $0x38;
	[tilespmem:$0x18C00] =	vst v63  }
0x1d: {  	s19 =	rddreg [dreg:$0x8];
	s1 =	simm.s32 $0x400  }
0x1e: {  	[tilespmem:s1], [sflag:$0x1] =	stream.linear.gather [hbm4b:s19+s2], $0x200, $0x38;
	[tilespmem:$0x18C00] =	vst v63  }
0x1f: {  	s20 =	rddreg [dreg:$0x9];
	s6 =	simm.s32 $0x800  }
0x20: {  	[tilespmem:s6], [sflag:$0x1] =	stream.linear.gather [hbm4b:s20+s2], $0x200, $0x38;
	[tilespmem:$0x18C00] =	vst v63  }
0x21: {  	s22 =	rddreg [dreg:$0xa]  }
0x22: {  	[tilespmem:s21], [sflag:$0x2] =	stream.linear.gather [hbm4b:s22+s2], $0x200, $0x38;
	[tilespmem:$0x18C00] =	vst v63  }
0x23: {  	s26 =	rddreg [dreg:$0xb];
	s7 =	simm.s32 $0x600  }
0x24: {  	[tilespmem:s7], [sflag:$0x2] =	stream.linear.gather [hbm4b:s26+s2], $0x200, $0x38;
	[tilespmem:$0x18C00] =	vst v63  }
0x25: {  	s8 =	rddreg [dreg:$0xc];
	s9 =	simm.s32 $0xA00;
	s10 =	simm.s32 $0x1  }
0x26: {  	[tilespmem:s9], [sflag:$0x2] =	stream.linear.gather [hbm4b:s8+s2], $0x200, $0x38;
	[tilespmem:$0x18C00] =	vst v63  }
0x27: {  	_ =	swait.ge [sflag:s10], $0x200  }
0x28: {  	[sflag:s10] =	ssyncset.done $0x0  }
0x29: {  	[sflag:s10] =	ssyncadd.s32 $0xFFFFFE00  }
0x2a: {  	_ =	swait.ge [sflag:s10], $0x200  }
0x2b: {  	[sflag:s10] =	ssyncset.done $0x0  }
0x2c: {  	[sflag:s10] =	ssyncadd.s32 $0xFFFFFE00  }
0x2d: {  	_ =	swait.ge [sflag:s10], $0x200  }
0x2e: {  	[sflag:s10] =	ssyncset.done $0x0  }
0x2f: {  	s11 =	simm.s32 $0xC00;
	[sflag:s10] =	ssyncadd.s32 $0xFFFFFE00  }
0x30: {  	[tilespmem:s11], [sflag:$0x3] =	stream.indirect.gather [hbm4b:s3+s21], $0x40, s2, s21, $0xb8;
	[tilespmem:$0x18C00] =	vst v63  }
0x31: {  	s12 =	simm.s32 $0x10C00  }
0x32: {  	[tilespmem:s12], [sflag:$0x3] =	stream.indirect.gather [hbm4b:s4+s21], $0x10, s1, s21, $0xb8;
	[tilespmem:$0x18C00] =	vst v63  }
0x33: {  	s1 =	sand.u32 $0x1, s10  }
0x34: {  	s13 =	simm.s32 $0x14C00;
	s0 =	sxor.u32 $0x1, s1  }
0x35: {  	[tilespmem:s13], [sflag:$0x3] =	stream.indirect.gather [hbm4b:s5+s21], $0x10, s6, s21, $0xb8;
	[tilespmem:$0x18C00] =	vst v63  }
0x36: {  	s14 =	sadd.s32 $0x3, s0  }
0x37: {  	_ =	swait.ge [sflag:s14], $0x8000  }
0x38: {  	[sflag:s14] =	ssyncset.done $0x0  }
0x39: {  	[sflag:s14] =	ssyncadd.s32 $0xFFFF8000  }
0x3a: {  	_ =	swait.ge [sflag:s14], $0x2000  }
0x3b: {  	[sflag:s14] =	ssyncset.done $0x0  }
0x3c: {  	[sflag:s14] =	ssyncadd.s32 $0xFFFFE000  }
0x3d: {  	s8 =	sshll.u32 s0, $0xD;
	s16 =	sshll.u32 s0, $0xF;
	_ =	swait.ge [sflag:s14], $0x2000  }
0x3e: {  	s9 =	sadd.s32 $0x5, s0;
	s15 =	rddreg [dreg:$0x6];
	[sflag:s14] =	ssyncset.done $0x0  }
0x3f: {  	s6 =	sor.u32 $0xC00, s16;
	[sflag:s14] =	ssyncadd.s32 $0xFFFFE000;
	s7 =	sadd.s32 $0x0, s15  }
0x40: {  	[hbm4b:s7+s28] =	stream.strided.scatter [tilespmem:s6], [sflag:s9], $0x8000, s29, s28, $0x38;
	[tilespmem:$0x18C00] =	vst v63  }
0x41: {  	s19 =	sor.u32 $0x10C00, s8;
	s10 =	sadd.s32 $0x8, s7  }
0x42: {  	[hbm4b:s10+s30] =	stream.strided.scatter [tilespmem:s19], [sflag:s9], $0x2000, s29, s30, $0x38;
	[tilespmem:$0x18C00] =	vst v63  }
0x43: {  	p0 =	por $0x0, $0x0;
	s20 =	sor.u32 $0x14C00, s8;
	s7 =	sadd.s32 $0xA, s7  }
0x44: {  	[hbm4b:s7+s30] =	stream.strided.scatter [tilespmem:s20], [sflag:s9], $0x2000, s29, s30, $0x38;
	[tilespmem:$0x18C00] =	vst v63  }
0x45: {  	s6 =	sadd.s32 @!p0 $0x1, s0;
	s0 =	sshll.u32 @!p0 s0, $0x9;
	s7 =	simm.s32 @!p0 $0x0  }
0x46: {  	[tilespmem:s0], [sflag:s6] =	stream.linear.gather @!p0 [hbm4b:s18+s7], $0x200, $0x38;
	[tilespmem:$0x18C00] =	vst v63  }
0x47: {  	s8 =	sor.u32 @!p0 $0x400, s0  }
0x48: {  	[tilespmem:s8], [sflag:s6] =	stream.linear.gather @!p0 [hbm4b:s17+s7], $0x200, $0x38;
	[tilespmem:$0x18C00] =	vst v63  }
0x49: {  	s22 =	sadd.s32 $0x1, s1;
	s13 =	rddreg [dreg:$0x11];
	s0 =	sor.u32 @!p0 $0x800, s0  }
0x4a: {  	[tilespmem:s0], [sflag:s6] =	stream.linear.gather @!p0 [hbm4b:s13+s7], $0x200, $0x38;
	[tilespmem:$0x18C00] =	vst v63  }
0x4b: {  	_ =	swait.ge [sflag:s22], $0x200  }
0x4c: {  	[sflag:s22] =	ssyncset.done $0x0  }
0x4d: {  	[sflag:s22] =	ssyncadd.s32 $0xFFFFFE00  }
0x4e: {  	_ =	swait.ge [sflag:s22], $0x200  }
0x4f: {  	[sflag:s22] =	ssyncset.done $0x0  }
0x50: {  	[sflag:s22] =	ssyncadd.s32 $0xFFFFFE00  }
0x51: {  	_ =	swait.ge [sflag:s22], $0x200  }
0x52: {  	p0 =	por $0x1, $0x1;
	[sflag:s22] =	ssyncset.done $0x0  }
0x53: {  	s11 =	sadd.s32 @!p0 $0x5, s1;
	[sflag:s22] =	ssyncadd.s32 $0xFFFFFE00  }
0x54: {  	_ =	swait.ge @!p0 [sflag:s11], $0x8000  }
0x55: {  	[sflag:s11] =	ssyncset.done @!p0 $0x0  }
0x56: {  	s12 =	sshll.u32 s1, $0xF;
	[sflag:s11] =	ssyncadd.s32 @!p0 $0xFFFF8000  }
0x57: {  	s26 =	sor.u32 $0xC00, s12;
	_ =	swait.ge @!p0 [sflag:s11], $0x2000  }
0x58: {  	s14 =	sshll.u32 s1, $0xD;
	s15 =	sshll.u32 s1, $0x9;
	[sflag:s11] =	ssyncset.done @!p0 $0x0  }
0x59: {  	s10 =	sor.u32 $0x14C00, s14;
	s9 =	simm.s32 $0x3000;
	[sflag:s11] =	ssyncadd.s32 @!p0 $0xFFFFE000  }
0x5a: {  	s8 =	simm.s32 $0x1800;
	s6 =	sadd.s32 $0x40, s18;
	_ =	swait.ge @!p0 [sflag:s11], $0x2000  }
0x5b: {  	s7 =	sadd.s32 $0x40, s17;
	s0 =	simm.s32 $0x2;
	[sflag:s11] =	ssyncset.done @!p0 $0x0  }
0x5c: {  	s22 =	sadd.s32 $0x40, s13;
	s13 =	sadd.s32 $0x3, s1;
	[sflag:s11] =	ssyncadd.s32 @!p0 $0xFFFFE000  }
0x5d: {  	[tilespmem:s26], [sflag:s13] =	stream.indirect.gather [hbm4b:s3+s21], $0x40, s15, s21, $0xb8;
	[tilespmem:$0x18C00] =	vst v63  }
0x5e: {  	s11 =	sor.u32 $0x10C00, s14;
	s14 =	sor.u32 $0x400, s15;
	s26 =	sand.u32 $0x1, s0  }
0x5f: {  	s15 =	sor.u32 $0x800, s15;
	s12 =	sxor.u32 $0x1, s26;
	s1 =	sshll.u32 s26, $0xF  }
.LBB2_2:
0x60: {  	[tilespmem:s11], [sflag:s13] =	stream.indirect.gather [hbm4b:s4+s21], $0x10, s14, s21, $0xb8;
	[tilespmem:$0x18C00] =	vst v63  }
0x61: {  	s19 =	sadd.s32 $0x3, s12  }
0x62: {  	[tilespmem:s10], [sflag:s13] =	stream.indirect.gather [hbm4b:s5+s21], $0x10, s15, s21, $0xb8;
	[tilespmem:$0x18C00] =	vst v63  }
0x63: {  	_ =	swait.ge [sflag:s19], $0x8000  }
0x64: {  	[sflag:s19] =	ssyncset.done $0x0  }
0x65: {  	[sflag:s19] =	ssyncadd.s32 $0xFFFF8000  }
0x66: {  	_ =	swait.ge [sflag:s19], $0x2000  }
0x67: {  	[sflag:s19] =	ssyncset.done $0x0  }
0x68: {  	[sflag:s19] =	ssyncadd.s32 $0xFFFFE000  }
0x69: {  	s16 =	sshll.u32 s12, $0xF;
	s20 =	sadd.s32 $0x5, s12;
	_ =	swait.ge [sflag:s19], $0x2000  }
0x6a: {  	s15 =	sshll.u32 s12, $0xD;
	s13 =	rddreg [dreg:$0x6];
	[sflag:s19] =	ssyncset.done $0x0  }
0x6b: {  	[sflag:s19] =	ssyncadd.s32 $0xFFFFE000;
	s19 =	sor.u32 $0xC00, s16;
	s13 =	sadd.s32 s8, s13  }
0x6c: {  	[hbm4b:s13+s28] =	stream.strided.scatter [tilespmem:s19], [sflag:s20], $0x8000, s29, s28, $0x38;
	[tilespmem:$0x18C00] =	vst v63  }
0x6d: {  	s19 =	sor.u32 $0x10C00, s15;
	s16 =	sadd.s32 $0x8, s13  }
0x6e: {  	[hbm4b:s16+s30] =	stream.strided.scatter [tilespmem:s19], [sflag:s20], $0x2000, s29, s30, $0x38;
	[tilespmem:$0x18C00] =	vst v63  }
0x6f: {  	p1 =	seq.s32 s8, $0x48000;
	s15 =	sor.u32 $0x14C00, s15;
	s13 =	sadd.s32 $0xA, s13  }
0x70: {  	[hbm4b:s13+s30] =	stream.strided.scatter [tilespmem:s15], [sflag:s20], $0x2000, s29, s30, $0x38;
	[tilespmem:$0x18C00] =	vst v63  }
0x71: {  	s13 =	sadd.s32 @!p1 $0x1, s12;
	s12 =	sshll.u32 @!p1 s12, $0x9;
	s15 =	simm.s32 @!p1 $0x0  }
0x72: {  	[tilespmem:s12], [sflag:s13] =	stream.linear.gather @!p1 [hbm4b:s6+s15], $0x200, $0x38;
	[tilespmem:$0x18C00] =	vst v63  }
0x73: {  	s16 =	sor.u32 @!p1 $0x400, s12  }
0x74: {  	[tilespmem:s16], [sflag:s13] =	stream.linear.gather @!p1 [hbm4b:s7+s15], $0x200, $0x38;
	[tilespmem:$0x18C00] =	vst v63  }
0x75: {  	s19 =	sadd.s32 $0x1, s26;
	s12 =	sor.u32 @!p1 $0x800, s12  }
0x76: {  	[tilespmem:s12], [sflag:s13] =	stream.linear.gather @!p1 [hbm4b:s22+s15], $0x200, $0x38;
	[tilespmem:$0x18C00] =	vst v63  }
0x77: {  	_ =	swait.ge [sflag:s19], $0x200  }
0x78: {  	[sflag:s19] =	ssyncset.done $0x0  }
0x79: {  	[sflag:s19] =	ssyncadd.s32 $0xFFFFFE00  }
0x7a: {  	_ =	swait.ge [sflag:s19], $0x200  }
0x7b: {  	[sflag:s19] =	ssyncset.done $0x0  }
0x7c: {  	[sflag:s19] =	ssyncadd.s32 $0xFFFFFE00  }
0x7d: {  	_ =	swait.ge [sflag:s19], $0x200  }
0x7e: {  	p1 =	slt.u32 s0, $0x2;
	[sflag:s19] =	ssyncset.done $0x0  }
0x7f: {  	s12 =	sadd.s32 @!p1 $0x5, s26;
	[sflag:s19] =	ssyncadd.s32 $0xFFFFFE00  }
0x80: {  	s14 =	smov.u32 s9;
	_ =	swait.ge @!p1 [sflag:s12], $0x8000  }
0x81: {  	s9 =	sadd.s32 $0x1800, s9;
	s11 =	sshll.u32 s26, $0xD;
	[sflag:s12] =	ssyncset.done @!p1 $0x0  }
0x82: {  	s1 =	sor.u32 $0xC00, s1;
	p0 =	sne.s32 s9, $0x49800;
	[sflag:s12] =	ssyncadd.s32 @!p1 $0xFFFF8000  }
0x83: {  	s10 =	sor.u32 $0x14C00, s11;
	s11 =	sor.u32 $0x10C00, s11;
	_ =	swait.ge @!p1 [sflag:s12], $0x2000  }
0x84: {  	s8 =	smov.u32 s14;
	s20 =	sshll.u32 s26, $0x9;
	[sflag:s12] =	ssyncset.done @!p1 $0x0  }
0x85: {  	s14 =	sor.u32 $0x400, s20;
	s6 =	sadd.s32 $0x40, s6;
	[sflag:s12] =	ssyncadd.s32 @!p1 $0xFFFFE000  }
.Ltmp0:
0x86: {  	s7 =	sadd.s32 $0x40, s7;
	_ =	swait.ge @!p1 [sflag:s12], $0x2000;
	(pc) =	sbr.rel @p0 .LBB2_2-.Ltmp0, $4  }
0x87: {  	s22 =	sadd.s32 $0x40, s22;
	s0 =	sadd.s32 $0x1, s0;
	[sflag:s12] =	ssyncset.done @!p1 $0x0  }
0x88: {  	s13 =	sadd.s32 $0x3, s26;
	s26 =	sand.u32 $0x1, s0;
	[sflag:s12] =	ssyncadd.s32 @!p1 $0xFFFFE000  }
0x89: {  	[tilespmem:s1], [sflag:s13] =	stream.indirect.gather [hbm4b:s3+s21], $0x40, s20, s21, $0xb8;
	[tilespmem:$0x18C00] =	vst v63  }
0x8a: {  	s15 =	sor.u32 $0x800, s20;
	s12 =	sxor.u32 $0x1, s26;
	s1 =	sshll.u32 s26, $0xF  }
0x8b: {  	[tilespmem:s11], [sflag:s13] =	stream.indirect.gather [hbm4b:s4+s21], $0x10, s14, s21, $0xb8;
	[tilespmem:$0x18C00] =	vst v63  }
0x8c: {  	s9 =	sadd.s32 $0x3, s12  }
0x8d: {  	[tilespmem:s10], [sflag:s13] =	stream.indirect.gather [hbm4b:s5+s21], $0x10, s15, s21, $0xb8;
	[tilespmem:$0x18C00] =	vst v63  }
0x8e: {  	_ =	swait.ge [sflag:s9], $0x8000  }
0x8f: {  	[sflag:s9] =	ssyncset.done $0x0  }
0x90: {  	[sflag:s9] =	ssyncadd.s32 $0xFFFF8000  }
0x91: {  	_ =	swait.ge [sflag:s9], $0x2000  }
0x92: {  	[sflag:s9] =	ssyncset.done $0x0  }
0x93: {  	[sflag:s9] =	ssyncadd.s32 $0xFFFFE000  }
0x94: {  	s16 =	sshll.u32 s12, $0xD;
	s19 =	sshll.u32 s12, $0xF;
	_ =	swait.ge [sflag:s9], $0x2000  }
0x95: {  	s20 =	sadd.s32 $0x5, s12;
	s15 =	rddreg [dreg:$0x6];
	[sflag:s9] =	ssyncset.done $0x0  }
0x96: {  	[sflag:s9] =	ssyncadd.s32 $0xFFFFE000;
	s9 =	sor.u32 $0xC00, s19;
	s10 =	sadd.s32 s8, s15  }
0x97: {  	[hbm4b:s10+s28] =	stream.strided.scatter [tilespmem:s9], [sflag:s20], $0x8000, s29, s28, $0x38;
	[tilespmem:$0x18C00] =	vst v63  }
0x98: {  	s14 =	sor.u32 $0x10C00, s16;
	s15 =	sadd.s32 $0x8, s10  }
0x99: {  	[hbm4b:s15+s30] =	stream.strided.scatter [tilespmem:s14], [sflag:s20], $0x2000, s29, s30, $0x38;
	[tilespmem:$0x18C00] =	vst v63  }
0x9a: {  	p0 =	seq.s32 s8, $0x48000;
	s16 =	sor.u32 $0x14C00, s16;
	s10 =	sadd.s32 $0xA, s10  }
0x9b: {  	[hbm4b:s10+s30] =	stream.strided.scatter [tilespmem:s16], [sflag:s20], $0x2000, s29, s30, $0x38;
	[tilespmem:$0x18C00] =	vst v63  }
0x9c: {  	s8 =	sadd.s32 @!p0 $0x1, s12;
	s9 =	sshll.u32 @!p0 s12, $0x9;
	s10 =	simm.s32 @!p0 $0x0  }
0x9d: {  	[tilespmem:s9], [sflag:s8] =	stream.linear.gather @!p0 [hbm4b:s6+s10], $0x200, $0x38;
	[tilespmem:$0x18C00] =	vst v63  }
0x9e: {  	s6 =	sor.u32 @!p0 $0x400, s9  }
0x9f: {  	[tilespmem:s6], [sflag:s8] =	stream.linear.gather @!p0 [hbm4b:s7+s10], $0x200, $0x38;
	[tilespmem:$0x18C00] =	vst v63  }
0xa0: {  	s19 =	sadd.s32 $0x1, s26;
	s6 =	sor.u32 @!p0 $0x800, s9  }
0xa1: {  	[tilespmem:s6], [sflag:s8] =	stream.linear.gather @!p0 [hbm4b:s22+s10], $0x200, $0x38;
	[tilespmem:$0x18C00] =	vst v63  }
0xa2: {  	_ =	swait.ge [sflag:s19], $0x200  }
0xa3: {  	[sflag:s19] =	ssyncset.done $0x0  }
0xa4: {  	[sflag:s19] =	ssyncadd.s32 $0xFFFFFE00  }
0xa5: {  	_ =	swait.ge [sflag:s19], $0x200  }
0xa6: {  	[sflag:s19] =	ssyncset.done $0x0  }
0xa7: {  	[sflag:s19] =	ssyncadd.s32 $0xFFFFFE00  }
0xa8: {  	_ =	swait.ge [sflag:s19], $0x200  }
0xa9: {  	p0 =	slt.u32 s0, $0x2;
	[sflag:s19] =	ssyncset.done $0x0  }
0xaa: {  	s0 =	sadd.s32 @!p0 $0x5, s26;
	[sflag:s19] =	ssyncadd.s32 $0xFFFFFE00  }
0xab: {  	_ =	swait.ge @!p0 [sflag:s0], $0x8000  }
0xac: {  	[sflag:s0] =	ssyncset.done @!p0 $0x0  }
0xad: {  	[sflag:s0] =	ssyncadd.s32 @!p0 $0xFFFF8000  }
0xae: {  	_ =	swait.ge @!p0 [sflag:s0], $0x2000  }
0xaf: {  	[sflag:s0] =	ssyncset.done @!p0 $0x0  }
0xb0: {  	[sflag:s0] =	ssyncadd.s32 @!p0 $0xFFFFE000  }
0xb1: {  	_ =	swait.ge @!p0 [sflag:s0], $0x2000  }
0xb2: {  	s1 =	sor.u32 $0xC00, s1;
	s20 =	sshll.u32 s26, $0xD;
	[sflag:s0] =	ssyncset.done @!p0 $0x0  }
0xb3: {  	s9 =	sshll.u32 s26, $0x9;
	s22 =	sadd.s32 $0x3, s26;
	[sflag:s0] =	ssyncadd.s32 @!p0 $0xFFFFE000  }
0xb4: {  	[tilespmem:s1], [sflag:s22] =	stream.indirect.gather [hbm4b:s3+s21], $0x40, s9, s21, $0xb8;
	[tilespmem:$0x18C00] =	vst v63  }
0xb5: {  	s11 =	sor.u32 $0x400, s9;
	s10 =	sor.u32 $0x10C00, s20  }
0xb6: {  	[tilespmem:s10], [sflag:s22] =	stream.indirect.gather [hbm4b:s4+s21], $0x10, s11, s21, $0xb8;
	[tilespmem:$0x18C00] =	vst v63  }
0xb7: {  	s12 =	sor.u32 $0x14C00, s20;
	s13 =	sor.u32 $0x800, s9  }
0xb8: {  	[tilespmem:s12], [sflag:s22] =	stream.indirect.gather [hbm4b:s5+s21], $0x10, s13, s21, $0xb8;
	[tilespmem:$0x18C00] =	vst v63  }
0xb9: {  	_ =	swait.ge [sflag:s31], $0x8000  }
0xba: {  	[sflag:s31] =	ssyncset.done $0x0  }
0xbb: {  	[sflag:s31] =	ssyncadd.s32 $0xFFFF8000  }
0xbc: {  	_ =	swait.ge [sflag:s31], $0x2000  }
0xbd: {  	[sflag:s31] =	ssyncset.done $0x0  }
0xbe: {  	[sflag:s31] =	ssyncadd.s32 $0xFFFFE000  }
0xbf: {  	_ =	swait.ge [sflag:s31], $0x2000  }
0xc0: {  	[sflag:s31] =	ssyncset.done $0x0  }
0xc1: {  	s15 =	simm.s32 $0x8C00;
	s14 =	rddreg [dreg:$0xd];
	[sflag:s31] =	ssyncadd.s32 $0xFFFFE000  }
0xc2: {  	[hbm4b:s14+s28] =	stream.strided.scatter [tilespmem:s15], [sflag:$0x6], $0x8000, s29, s28, $0x38;
	[tilespmem:$0x18C00] =	vst v63  }
0xc3: {  	s19 =	simm.s32 $0x12C00;
	s16 =	rddreg [dreg:$0xe]  }
0xc4: {  	[hbm4b:s16+s30] =	stream.strided.scatter [tilespmem:s19], [sflag:$0x6], $0x2000, s29, s30, $0x38;
	[tilespmem:$0x18C00] =	vst v63  }
0xc5: {  	s22 =	simm.s32 $0x16C00;
	s20 =	rddreg [dreg:$0xf]  }
0xc6: {  	[hbm4b:s20+s30] =	stream.strided.scatter [tilespmem:s22], [sflag:$0x6], $0x2000, s29, s30, $0x38;
	[tilespmem:$0x18C00] =	vst v63  }
0xc7: {  	_ =	swait.ge [sflag:s23], $0x8000  }
0xc8: {  	[sflag:s23] =	ssyncset.done $0x0  }
0xc9: {  	[sflag:s23] =	ssyncadd.s32 $0xFFFF8000  }
0xca: {  	_ =	swait.ge [sflag:s23], $0x2000  }
0xcb: {  	[sflag:s23] =	ssyncset.done $0x0  }
0xcc: {  	[sflag:s23] =	ssyncadd.s32 $0xFFFFE000  }
0xcd: {  	_ =	swait.ge [sflag:s23], $0x2000  }
0xce: {  	[sflag:s23] =	ssyncset.done $0x0  }
0xcf: {  	[sflag:s23] =	ssyncadd.s32 $0xFFFFE000  }
0xd0: {  	_ =	swait.ge [sflag:s24], $0x8000  }
0xd1: {  	[sflag:s24] =	ssyncset.done $0x0  }
0xd2: {  	[sflag:s24] =	ssyncadd.s32 $0xFFFF8000  }
0xd3: {  	_ =	swait.ge [sflag:s24], $0x2000  }
0xd4: {  	[sflag:s24] =	ssyncset.done $0x0  }
0xd5: {  	[sflag:s24] =	ssyncadd.s32 $0xFFFFE000  }
0xd6: {  	_ =	swait.ge [sflag:s24], $0x2000  }
0xd7: {  	s25 =	sadd.s32 $0x1, s25;
	s26 =	rddreg [dreg:$0x10]  }
0xd8: {  	p0 =	sne.s32 s25, s26  }
.Ltmp1:
0xd9: {  	_ = 	snop;
	(pc) =	sbr.rel @p0 .LBB2_1-.Ltmp1, $3  }
0xda: {  	_ =	sdelay $0x1  }
0xdb: {  	[sflag:s24] =	ssyncset.done $0x0  }
0xdc: {  	[sflag:s24] =	ssyncadd.s32 $0xFFFFE000  }
0xdd: {  	_ =	sfence.sel $0x180000  }
0xde: {  	[bflag:$0x0] =	sbarrier.arrive $0xFFFF  }
0xdf: {  	_ =	strace $0x90000047  }
0xe0: {  	s0 =	stileid.u32;
	[bflag:$0x2] =	sbarrier.arrive $0xFFFF  }
0xe1: {  	p0 =	sne.s32 s0, $0x0;
	s0 =	rddreg [dreg:$0x5]  }
0xe2: {  	s0 =	sadd.s32 @!p0 $0x100000, s0  }
0xe3: {  	[sflag:s0] =	ssyncadd.tile.s32 @!p0 $0x1;
	_ =	shalt  }
.Lfunc_end2:
_tile_overlayer_lowered:
.L_overlay_start_2:
0xe4: {  	(tag) =	ssettag $0x2  }
0xe5: {  	s0 =	rddreg [dreg:$0x0];
	s2 =	stileid.u32  }
0xe6: {  	s1 =	rddreg [dreg:$0x1];
	p0 =	sne.s32 s2, $0x0  }
0xe7: {  	s3 =	rddreg [dreg:$0x2];
	[bflag:$0x3] =	sbarrier.arrive $0xFFFF;
	s2 =	simm.s32 @!p0 $0x1C07  }
0xe8: {  	[timem:s3], [sflag:s2] =	dma.local @!p0 [hbm:s0], s1  }
0xe9: {  	s0 =	simm.s32 @!p0 $0x7  }
0xea: {  	_ =	swait.ge @!p0 [sflag:s0], s1  }
0xeb: {  	s1 =	ssub.s32 @!p0 $0x0, s1;
	[sflag:s0] =	ssyncset.done @!p0 $0x0  }
0xec: {  	[sflag:s0] =	ssyncadd.s32 @!p0 s1  }
0xed: {  	[bflag:$0x3] =	sbarrier.arrive $0xFFFF  }
0xee: {  	_ =	shalt  }

// kernel: sparse-core-data-format-call.cloned.1.call-start
scs
called_computation_lowered:
.L_overlay_start_0:
0x0: {  	s2 =	sld [smem:$0x3FD9]  }
0x1: {  	s3 =	sld [smem:$0x3FFE];
	_ =	sdelay $0x1  }
0x2: {  	s1 =	srdreg.scid  }
0x3: {  	s0 =	sand.u32 $0x1, s1  }
0x4: {  	s18 =	sshll.u32 s0, $0xA;
	s2 =	sadd.s32 s3, s2  }
0x5: {  	s2 =	sadd.s32 s2, s18  }
0x6: {  	[smem:$0x3FC2] =	sst s2  }
0x7: {  	_ = 	snop  }
0x8: {  	s2 =	sld [smem:$0x3FD0];
	(tm) =	ssettm $0x1  }
0x9: {  	s19 =	sld [smem:$0x3FFB];
	_ =	sdelay $0x3  }
0xa: {  	_ =	strace s19  }
0xb: {  	s3 =	sld [smem:$0x3FFC];
	_ =	sdelay $0x3  }
0xc: {  	_ =	strace s3  }
0xd: {  	s3 =	sld [smem:$0x3FFD];
	_ =	sdelay $0x3  }
0xe: {  	_ =	strace s3  }
0xf: {  	_ =	strace $0x8FFFFFFF  }
0x10: {  	s20 =	sld [smem:$0x3FDB];
	_ =	sdelay $0x1  }
0x11: {  	s4 =	simm.s32 $_scs_section_size  }
0x12: {  	s5 =	simm.s32 $_size__tile_overlayer_lowered;
	s6 =	simm.s32 $_tile_overlayer_lowered  }
0x13: {  	s23 =	simm.s32 $0x1BFF;
	s22 =	sshll.u32 s6, $0x1;
	s3 =	sadd.s32 s4, s20  }
0x14: {  	s7 =	simm.s32 $0x0;
	s21 =	sshll.u32 s5, $0x1;
	s5 =	sadd.s32 s22, s3  }
0x15: {  	[timem:s7], [sflag:s23] =	dma.local [hbm:s5], s21  }
0x16: {  	_ =	swait.ge [sflag:s23], s21  }
0x17: {  	s4 =	ssub.s32 $0x0, s21;
	[sflag:s23] =	ssyncset.done $0x0  }
0x18: {  	[sflag:s23] =	ssyncadd.s32 s4;
	_ =	sdelay $0x1  }
0x19: {  	s24 =	simm.s32 $0x1B8B  }
0x1a: {  	_ =	swait.ge [sflag:s24], $0x1  }
0x1b: {  	[sflag:s24] =	ssyncset.done $0x0  }
0x1c: {  	s26 =	simm.s32 $0x1B8E;
	s25 =	sld [smem:$0x3FFE];
	[sflag:s24] =	ssyncadd.s32 $0xFFFFFFFF  }
0x1d: {  	s27 =	simm.s32 $execute0_lowered;
	[smem:$0x3FD2] =	sst s26  }
0x1e: {  	s5 =	sshll.u32 s27, $0x1;
	_ =	strace $0x80000049;
	[dreg:$0x1] =	wrdreg $0xFFFFFFFF  }
0x1f: {  	s28 =	simm.s32 $_size_execute0_lowered;
	s3 =	sadd.s32 s3, s5;
	[dreg:$0x0] =	wrdreg $0x0  }
0x20: {  	s5 =	sshll.u32 s28, $0x1;
	[dreg:$0x2] =	wrdreg s3  }
0x21: {  	[dreg:$0x3] =	wrdreg s5  }
0x22: {  	[dreg:$0x4] =	wrdreg $0xC0  }
0x23: {  	_ =	task [dreg:s7], $0x5FFFF  }
0x24: {  	[dreg:$0x1] =	wrdreg $0xFFFFFFFF  }
0x25: {  	[dreg:$0x0] =	wrdreg $0x60  }
0x26: {  	[dreg:$0x2] =	wrdreg s25  }
0x27: {  	[dreg:$0x3] =	wrdreg s2  }
0x28: {  	[dreg:$0x4] =	wrdreg $0x9  }
0x29: {  	_ =	task.clear_ibuf [dreg:s7], $0x5FFFF;
	_ =	strace $0x90000049  }
0x2a: {  	s29 =	simm.s32 $0x9;
	_ =	strace $0x8000004B  }
0x2b: {  	_ =	swait.ge [sflag:s29], $0x1  }
0x2c: {  	[sflag:s29] =	ssyncadd.s32 $0xFFFFFFFF  }
0x2d: {  	_ =	strace $0x9000004B  }
0x2e: {  	_ =	sfence  }
0x2f: {  	s30 =	sld [smem:$0x0];
	_ =	sdelay $0x2  }
0x30: {  	s31 =	sshll.u32 s1, $0xD;
	s1 =	sshrl.u32 s1, $0x2  }
0x31: {  	s3 =	sand.u32 $0x4000, s31;
	s1 =	sadd.s32 s1, s30  }
0x32: {  	s0 =	sor.u32 s3, s0;
	s1 =	sshll.u32 s1, $0x11  }
0x33: {  	s0 =	sor.u32 s1, s0  }
0x34: {  	s0 =	sadd.s32 $0x8F2B, s0  }
0x35: {  	[sflag:s0] =	ssyncadd.remote.s32 $0x1  }
0x36: {  	_ =	sfence.sel $0xFFFF  }
0x37: {  	[dreg:$0x0] =	wrdreg $0xFFFFFFFF;
	(pc) =	sbr.abs _section_cstart, $3  }
0x38: {  	[dreg:$0x1] =	wrdreg $0xFFFFFFFF  }
0x39: {  	_ =	task.clear_ibuf [dreg:s7], $0x2FFFF;
	_ =	strace $0x9FFFFFFF  }
0x3a: {  	(tm) =	ssettm $0x7FFFFFFF  }
0x3b: {  	_ =	shalt  }
tec
execute0_lowered:
.L_overlay_start_1:
0x0: {  	(tag) =	ssettag $0x1  }
0x1: {  	s0 =	srdreg.scid  }
0x2: {  	s5 =	rddreg [dreg:$0x0];
	s1 =	sshll.u32 s0, $0x4  }
0x3: {  	s2 =	rddreg [dreg:$0x1];
	s0 =	stileid.u32;
	s1 =	sand.u32 $0x10, s1  }
0x4: {  	s4 =	simm.s32 $0x1;
	s8 =	simm.s32 $0x2;
	s1 =	sor.u32 s0, s1  }
0x5: {  	s12 =	simm.s32 $0x0;
	s9 =	simm.s32 $0x0;
	s3 =	sshll.u32 s1, $0x7  }
0x6: {  	s11 =	simm.s32 $0x0;
	s5 =	sadd.s32 $0x800, s5;
	s6 =	ssub.s32 $0xC8000, s3  }
.Ltmp0:
0x7: {  	s1 =	rddreg [dreg:$0x2];
	s7 =	sand.u32 $0xF80, s6;
	(pc) =	sbr.rel .LBB1_1-.Ltmp0, $4  }
0x8: {  	_ =	strace $0x8000004A;
	p0 =	sne.s32 s7, $0x0;
	s7 =	simm.s32 $0x1  }
0x9: {  	[sflag:s4] =	ssyncpa.u1 $0x0;
	s6 =	sshrl.u32 s6, $0xC;
	s7 =	simm.s32 @!p0 $0x0  }
0xa: {  	s10 =	smov.u32 s3;
	[sflag:s8] =	ssyncpa.u1 $0x0;
	s6 =	sadd.s32 s7, s6  }
0xb: {  	s8 =	simm.s32 $0x640000;
	p0 =	por $0x0, $0x0;
	s7 =	sadd.s32 $0x1, s6  }
.LBB1_4:
0xc: {  	s18 =	sshll.u32 s9, $0x3  }
0xd: {  	s19 =	sand.u32 $0x7F, s9;
	s20 =	sand.u32 $0xFFFFFC00, s18;
	s18 =	smulhi.u32 $0x51EB851F, s18  }
0xe: {  	v5 =	vld [tilespmem:s14+$0xFFFFFFD0];
	[tilespmem:s16+$0x2040 ss:$0x81] =	vst.msk $0xffff, v3;
	s19 =	sor.u32 s19, s20  }
0xf: {  	v58 =	vld [tilespmem:s14+$0xFFFFFFE0];
	[tilespmem:s16+$0x2850 ss:$0x81] =	vst.msk $0xffff, v4;
	s20 =	smulhi.u32 $0x51EB851F, s19;
	s18 =	sshrl.u32 s18, $0x12  }
0x10: {  	s17 =	sshra.s32 s17, $0x2;
	v59 =	vld [tilespmem:s14+$0xFFFFFFF0];
	[tilespmem:s16+$0x3060 ss:$0x81] =	vst.msk $0xffff, v2;
	p1 =	sgt.s32 s9, $0xC7F80;
	s21 =	smul.u32 $0xAAB, s18  }
0x11: {  	v60 =	vld [tilespmem:s14+$0x0];
	[tilespmem:s16+$0x0 ss:$0x81] =	vst.msk $0xffff, v0;
	s26 =	sshra.s32 s9, $0x1F;
	s15 =	sadd.s32 s17, s15;
	s20 =	sshrl.u32 s20, $0x12  }
0x12: {  	v61 =	vld [tilespmem:s14+$0x10];
	[tilespmem:s15+$0x3870 ss:$0x81] =	vst.msk $0xffff, v1;
	s24 =	smul.u32 $0xC8000, s20;
	s25 =	sshrl.u32 s21, $0x12;
	s20 =	smov.u32 s9  }
0x13: {  	v62 =	vld [tilespmem:s14+$0x20];
	[tilespmem:s15+$0x810 ss:$0x81] =	vst.msk $0xffff, v5;
	s21 =	sand.u32 s26, s9;
	s17 =	smul.u32 $0x60, s25;
	s20 =	simm.s32 @!p1 $0xC7F80  }
0x14: {  	v63 =	vld [tilespmem:s14+$0xFFFFFFC0];
	[tilespmem:s15+$0x1020 ss:$0x81] =	vst.msk $0xffff, v58;
	s27 =	ssub.s32 s19, s24;
	s28 =	ssub.s32 s20, s21  }
0x15: {  	[tilespmem:s15+$0x1830 ss:$0x81] =	vst.msk $0xffff, v59;
	s17 =	ssub.s32 s18, s17;
	s29 =	sadd.s32 $0xFFF38080, s28;
	s16 =	ssub.s32 $0xC8000, s28  }
0x16: {  	[tilespmem:s15+$0x2040 ss:$0x81] =	vst.msk $0xffff, v60;
	s30 =	sshrl.u32 s27, $0x3;
	s17 =	sand.u32 $0xFFFF, s17;
	s16 =	smul.u32 $0x180, s16  }
0x17: {  	[tilespmem:s15+$0x2850 ss:$0x81] =	vst.msk $0xffff, v61;
	s14 =	sand.u32 $0x7, s27;
	p1 =	sgt.s32 s29, $0x7F;
	s17 =	smul.u32 $0x19000, s17  }
0x18: {  	[tilespmem:s15+$0x3060 ss:$0x81] =	vst.msk $0xffff, v62;
	s18 =	sadd.s32 s2, s30;
	s14 =	sshll.u32 s14, $0x12;
	s16 =	sshrl.u32 s16, $0x2  }
0x19: {  	[tilespmem:s15+$0x0 ss:$0x81] =	vst.msk $0xffff, v63;
	s14 =	sor.u32 $0x400, s14;
	s16 =	simm.s32 @p1 $0x0;
	s31 =	sadd.s32 s17, s18  }
0x1a: {  	[hbm4b:s31+s14] =	stream.strided.scatter [tilespmem:s13], [sflag:$0x2], s16, s8, s14, $0x20;
	[tilespmem:$0x10100] =	vst v63  }
.LBB1_5:
0x1b: {  	p1 =	slt.u32 s11, $0x2  }
0x1c: {  	p2 =	sgt.s32 @!p1 s12, $0xC7F80  }
0x1d: {  	s13 =	smov.u32 s12;
	s14 =	sshra.s32 @!p1 s12, $0x1F;
	p2 =	por !p2, p1  }
0x1e: {  	s12 =	sand.u32 @!p1 s14, s12;
	s13 =	simm.s32 @p2 $0xC7F80  }
0x1f: {  	s12 =	ssub.s32 @!p1 s13, s12  }
0x20: {  	s13 =	ssub.s32 @!p1 $0xC8000, s12  }
0x21: {  	s12 =	sadd.s32 @!p1 $0xFFF38080, s12;
	s13 =	smul.u32 @!p1 $0x180, s13  }
0x22: {  	p2 =	sgt.s32 @!p1 s12, $0x7F  }
0x23: {  	s14 =	sadd.s32 $0x1000, s10;
	p2 =	por !p2, p1;
	s12 =	sshrl.u32 @!p1 s13, $0x2  }
0x24: {  	s12 =	simm.s32 @!p2 $0x0;
	p2 =	sgt.s32 s14, $0xC7FFF  }
0x25: {  	s14 =	smov.u32 @p2 s3;
	p2 =	sne.s32 s11, s7  }
.Ltmp1:
0x26: {  	_ = 	snop;
	(pc) =	sbr.rel @!p2 .LBB1_6-.Ltmp1, $4  }
0x27: {  	s13 =	simm.s32 @!p1 $0x2  }
0x28: {  	p0 =	por !p0, !p0;
	_ =	swait.ge @!p1 [sflag:s13], s12;
	s15 =	ssub.s32 @!p1 $0x0, s12  }
0x29: {  	s12 =	smov.u32 s9;
	s11 =	sadd.s32 $0x1, s11;
	[sflag:s13] =	ssyncset.done @!p1 $0x0  }
0x2a: {  	s9 =	smov.u32 s10;
	s10 =	smov.u32 s14;
	[sflag:s13] =	ssyncadd.s32 @!p1 s15  }
.LBB1_1:
0x2b: {  	p1 =	sge.u32 s11, s6  }
0x2c: {  	s13 =	sand.u32 @!p1 $0x1FFFFFF, s10  }
0x2d: {  	s14 =	smulhi.u32 @!p1 $0x147AE15, s13;
	_ =	sdelay $0x1  }
0x2e: {  	s14 =	sshrl.u32 @!p1 s14, $0xC  }
0x2f: {  	s14 =	smul.u32 @!p1 $0xC8000, s14;
	_ =	sdelay $0x1  }
0x30: {  	s15 =	sxor.u32 @!p1 $0xFFFFFFFF, s11;
	s13 =	ssub.s32 @!p1 s13, s14  }
0x31: {  	s31 =	sadd.s32 $0xFFFFFFFF, s11;
	s14 =	sshll.u32 @!p1 s15, $0xE;
	s13 =	sshll.u32 @!p1 s13, $0x4  }
0x32: {  	s15 =	simm.s32 @!p1 $0x0;
	s14 =	sand.u32 @!p1 $0x4000, s14;
	s13 =	sadd.s32 @!p1 s5, s13  }
0x33: {  	[tilespmem:s14], [sflag:$0x1] =	stream.linear.gather @!p1 [hbm4b:s13+s15], $0x4000, $0x38;
	[tilespmem:$0x10100] =	vst v63  }
0x34: {  	p1 =	sge.u32 s31, s6  }
.Ltmp2:
0x35: {  	_ = 	snop;
	(pc) =	sbr.rel @p1 .LBB1_5-.Ltmp2, $1  }
0x36: {  	_ =	sdelay $0x3  }
0x37: {  	s13 =	simm.s32 $0x1  }
0x38: {  	_ =	swait.ge [sflag:s4], $0x4000;
	s13 =	simm.s32 @!p0 $0x0  }
0x39: {  	[sflag:s4] =	ssyncset.done $0x0;
	s14 =	sshll.u32 s13, $0xE  }
0x3a: {  	[sflag:s4] =	ssyncadd.s32 $0xFFFFC000;
	s14 =	sor.u32 $0x40, s14  }
0x3b: {  	s13 =	smul.u32 $0x10200, s13;
	v0 =	vld [tilespmem:s14+$0x30]  }
0x3c: {  	v1 =	vld [tilespmem:s14+$0xFFFFFFD0]  }
0x3d: {  	s13 =	sshrl.u32 s13, $0x2;
	v5 =	vld [tilespmem:s14+$0xFFFFFFE0]  }
0x3e: {  	v6 =	vld [tilespmem:s14+$0xFFFFFFF0];
	s15 =	sor.u32 $0x8000, s13  }
0x3f: {  	s31 =	sand.u32 $0x1, s11;
	v3 =	vld [tilespmem:s14+$0x0];
	s16 =	sadd.s32 $0x0, s15  }
0x40: {  	v4 =	vld [tilespmem:s14+$0x10];
	s13 =	smul.u32 $0x10200, s31;
	[tilespmem:s16+$0x3870 ss:$0x81] =	vst.msk $0xffff, v0  }
0x41: {  	v2 =	vld [tilespmem:s14+$0x20];
	[tilespmem:s16+$0x810 ss:$0x81] =	vst.msk $0xffff, v1  }
0x42: {  	s13 =	sshrl.u32 s13, $0x2;
	v0 =	vld [tilespmem:s14+$0xFFFFFFC0];
	[tilespmem:s16+$0x1020 ss:$0x81] =	vst.msk $0xffff, v5;
	s14 =	sadd.s32 $0x80, s14  }
0x43: {  	s17 =	simm.s32 $0x4;
	s18 =	simm.s32 $0x8;
	s13 =	sor.u32 $0x8000, s13;
	[tilespmem:s16+$0x1830 ss:$0x81] =	vst.msk $0xffff, v6;
	v1 =	vld [tilespmem:s14+$0x30]  }
.LBB1_3:
0x44: {  	p1 =	sne.s32 s18, $0x1FC;
	v5 =	vld [tilespmem:s14+$0xFFFFFFD0];
	[tilespmem:s16+$0x2040 ss:$0x81] =	vst.msk $0xffff, v3  }
0x45: {  	v6 =	vld [tilespmem:s14+$0xFFFFFFE0];
	[tilespmem:s16+$0x2850 ss:$0x81] =	vst.msk $0xffff, v4  }
0x46: {  	s19 =	sshra.s32 s17, $0x2;
	s17 =	smov.u32 s18;
	v7 =	vld [tilespmem:s14+$0xFFFFFFF0];
	[tilespmem:s16+$0x3060 ss:$0x81] =	vst.msk $0xffff, v2  }
.Ltmp3:
0x47: {  	v3 =	vld [tilespmem:s14+$0x0];
	[tilespmem:s16+$0x0 ss:$0x81] =	vst.msk $0xffff, v0;
	s16 =	sadd.s32 s19, s15;
	(pc) =	sbr.rel @p1 .LBB1_3-.Ltmp3, $4  }
0x48: {  	v4 =	vld [tilespmem:s14+$0x10];
	[tilespmem:s16+$0x3870 ss:$0x81] =	vst.msk $0xffff, v1  }
0x49: {  	[tilespmem:s16+$0x810 ss:$0x81] =	vst.msk $0xffff, v5;
	v2 =	vld [tilespmem:s14+$0x20]  }
0x4a: {  	v0 =	vld [tilespmem:s14+$0xFFFFFFC0];
	[tilespmem:s16+$0x1020 ss:$0x81] =	vst.msk $0xffff, v6;
	s14 =	sadd.s32 $0x80, s14  }
0x4b: {  	s18 =	sadd.s32 $0x4, s18;
	v1 =	vld [tilespmem:s14+$0x30];
	[tilespmem:s16+$0x1830 ss:$0x81] =	vst.msk $0xffff, v7  }
.Ltmp4:
0x4c: {  	_ = 	snop;
	(pc) =	sbr.rel .LBB1_4-.Ltmp4, $1  }
0x4d: {  	_ =	sdelay $0x3  }
.LBB1_6:
0x4e: {  	_ =	sfence.sel $0x180000  }
0x4f: {  	s2 =	simm.s32 $0x1;
	[bflag:$0x0] =	sbarrier.arrive $0xFFFF  }
0x50: {  	s31 =	simm.s32 $0x2;
	[sflag:s2] =	ssyncpa.u1 $0x1  }
0x51: {  	[sflag:s31] =	ssyncpa.u1 $0x1  }
0x52: {  	p0 =	sne.s32 s0, $0x0;
	_ =	strace $0x9000004A  }
0x53: {  	s0 =	sadd.s32 @!p0 $0x100000, s1;
	[bflag:$0x2] =	sbarrier.arrive $0xFFFF  }
0x54: {  	[sflag:s0] =	ssyncadd.tile.s32 @!p0 $0x1;
	_ =	shalt  }
.Lfunc_end1:
_tile_overlayer_lowered:
.L_overlay_start_2:
0x55: {  	(tag) =	ssettag $0x2  }
0x56: {  	s0 =	rddreg [dreg:$0x0];
	s2 =	stileid.u32  }
0x57: {  	s1 =	rddreg [dreg:$0x1];
	p0 =	sne.s32 s2, $0x0  }
0x58: {  	s3 =	rddreg [dreg:$0x2];
	[bflag:$0x3] =	sbarrier.arrive $0xFFFF;
	s2 =	simm.s32 @!p0 $0x1C01  }
0x59: {  	[timem:s3], [sflag:s2] =	dma.local @!p0 [hbm:s0], s1  }
0x5a: {  	s0 =	simm.s32 @!p0 $0x1  }
0x5b: {  	_ =	swait.ge @!p0 [sflag:s0], s1  }
0x5c: {  	s1 =	ssub.s32 @!p0 $0x0, s1;
	[sflag:s0] =	ssyncset.done @!p0 $0x0  }
0x5d: {  	[sflag:s0] =	ssyncadd.s32 @!p0 s1  }
0x5e: {  	[bflag:$0x3] =	sbarrier.arrive $0xFFFF  }
0x5f: {  	_ =	shalt  }

</sc_bundles>
